<compile_context>
chip_gen: v7x
topology: tpu7x:2x2x1
jax: 0.10.2.dev20260603
libtpu: 0.0.44.dev20260713+nightly
codegen_flags: <defaults>
</compile_context>

<pallas_src>
import functools

import jax
import jax.numpy as jnp
from jax import lax
from jax.experimental import pallas as pl
from jax.experimental.pallas import tpu as pltpu
from jax.experimental.pallas import tpu_sc as plsc

_NUM_FIELDS = 26
_FIELD_DIM = 100000
_EMBED_DIM = 16
_VOCAB = _NUM_FIELDS * _FIELD_DIM

_info = plsc.get_sparse_core_info()
_NC, _NS = _info.num_cores, _info.num_subcores
_NW = _NC * _NS

_W = 256
_NBLK = _VOCAB // _W
_REM = _VOCAB - _NBLK * _W
_PAIRS = -(-_NBLK // (2 * _NW))


def _shuffle(s_v, o_v, lane, n):
  def step(i16, _):
    i = i16 * 16 + lane
    for j in range(16):
      d = (j + lane) & 15
      val = plsc.load_gather(s_v, [d, i])
      plsc.store_scatter(o_v, [i * 16 + d], val)
    return ()

  lax.fori_loop(0, n // 16, step, (), unroll=False)


def _make_retile():
  mesh = plsc.VectorSubcoreMesh(core_axis_name="c", subcore_axis_name="s")

  @functools.partial(
      pl.kernel,
      mesh=mesh,
      out_type=jax.ShapeDtypeStruct((_VOCAB * _EMBED_DIM,), jnp.float32),
      scratch_types=[
          pltpu.VMEM((_EMBED_DIM, _W), jnp.float32),
          pltpu.VMEM((_EMBED_DIM, _W), jnp.float32),
          pltpu.VMEM((_W * _EMBED_DIM,), jnp.float32),
          pltpu.VMEM((_W * _EMBED_DIM,), jnp.float32),
          pltpu.SemaphoreType.DMA,
          pltpu.SemaphoreType.DMA,
          pltpu.SemaphoreType.DMA,
          pltpu.SemaphoreType.DMA,
      ],
      compiler_params=pltpu.CompilerParams(needs_layout_passes=False),
  )
  def k(wt_hbm, rem_hbm, out_hbm, s_a, s_b, o_a, o_b, ia, ib, oa, ob):
    wid = lax.axis_index("s") * _NC + lax.axis_index("c")
    lane = jax.lax.broadcasted_iota(jnp.int32, (16,), 0)

    def blk(step):
      b = wid + step * _NW
      return jnp.where(b < _NBLK, b, b - _NBLK)

    def start_in(b, s_v, sem):
      pltpu.async_copy(wt_hbm.at[:, pl.ds(b * _W, _W)], s_v, sem)

    def wait_in(b, s_v, sem):
      pltpu.make_async_copy(wt_hbm.at[:, pl.ds(b * _W, _W)], s_v,
                            sem).wait()

    def drain_out(o_v, sem):
      pltpu.make_async_copy(o_v, out_hbm.at[pl.ds(0, _W * 16)], sem).wait()

    start_in(blk(0), s_a, ia)
    start_in(blk(1), s_b, ib)

    def body(it, _):
      b1 = blk(2 * it)
      b2 = blk(2 * it + 1)

      @pl.when(it > 0)
      def _():
        drain_out(o_a, oa)

      wait_in(b1, s_a, ia)
      _shuffle(s_a, o_a, lane, _W)
      pltpu.async_copy(o_a, out_hbm.at[pl.ds(b1 * (_W * 16), _W * 16)], oa)

      @pl.when(it < _PAIRS - 1)
      def _():
        start_in(blk(2 * it + 2), s_a, ia)

      @pl.when(it > 0)
      def _():
        drain_out(o_b, ob)

      wait_in(b2, s_b, ib)
      _shuffle(s_b, o_b, lane, _W)
      pltpu.async_copy(o_b, out_hbm.at[pl.ds(b2 * (_W * 16), _W * 16)], ob)

      @pl.when(it < _PAIRS - 1)
      def _():
        start_in(blk(2 * it + 3), s_b, ib)

      return ()

    lax.fori_loop(0, _PAIRS, body, (), unroll=False)
    drain_out(o_a, oa)
    drain_out(o_b, ob)

    @pl.when(wid == _NW - 1)
    def _():
      pltpu.sync_copy(rem_hbm, o_a.at[pl.ds(0, _REM * 16)])
      pltpu.sync_copy(o_a.at[pl.ds(0, _REM * 16)],
                      out_hbm.at[pl.ds(_NBLK * (_W * 16), _REM * 16)])

  return k


def _make_lookup(batch: int):
  assert batch % _NW == 0
  bpw = batch // _NW
  mesh = plsc.VectorSubcoreMesh(core_axis_name="c", subcore_axis_name="s")
  d = _EMBED_DIM

  @functools.partial(
      pl.kernel,
      mesh=mesh,
      out_type=jax.ShapeDtypeStruct((_NUM_FIELDS, d, batch), jnp.float32),
      scratch_types=[
          pltpu.VMEM((bpw,), jnp.int32),
          pltpu.VMEM((bpw, d), jnp.float32),
          pltpu.VMEM((d, bpw), jnp.float32),
          pltpu.SemaphoreType.DMA,
      ],
      compiler_params=pltpu.CompilerParams(use_tc_tiling_on_sc=False,
                                           needs_layout_passes=False),
  )
  def k(idx_hbm, table_hbm, out_hbm, idx_v, rows_v, cols_v, gsem):
    wid = lax.axis_index("s") * _NC + lax.axis_index("c")
    b0 = wid * bpw
    lane = jax.lax.broadcasted_iota(jnp.int32, (16,), 0)

    def body(f, _):
      pltpu.sync_copy(idx_hbm.at[f, pl.ds(b0, bpw)], idx_v)
      pltpu.async_copy(table_hbm.at[idx_v], rows_v, gsem).wait()
      def col(r16, _):
        rows = r16 * 16 + lane
        for j in range(d):
          c = (j + lane) & 15
          val = plsc.load_gather(rows_v, [rows, c])
          plsc.store_scatter(cols_v, [c, rows], val)
        return ()

      lax.fori_loop(0, bpw // 16, col, (), unroll=False)
      pltpu.sync_copy(cols_v, out_hbm.at[f, :, pl.ds(b0, bpw)])
      return ()

    lax.fori_loop(0, _NUM_FIELDS, body, (), unroll=False)

  return k


def kernel(x, weight):
  b, f = x.shape
  offsets = jnp.arange(f, dtype=jnp.int32) * _FIELD_DIM
  idx_t = x.T + offsets[:, None]
  rem_flat = weight[_NBLK * _W:, :].reshape(-1)
  table_flat = _make_retile()(weight.T, rem_flat)
  table = table_flat.reshape(_VOCAB, _EMBED_DIM)
  out_t = _make_lookup(b)(idx_t, table)
  return out_t.transpose(2, 0, 1)

# --- scband reference (transcript-rebuilt; emitter-appended) ---
"""Pipeline reference for scband-features-embedding-43516608643893 (READ-ONLY COPY).

The authoritative reference and input builder live on the scoring server;
editing this copy changes nothing except your own understanding.
"""

import jax, jax.numpy as jnp
import numpy as np

FIELD_DIMS = [100000] * 26
EMBED_DIM = 16
NUM_EMBEDDINGS = sum(FIELD_DIMS)
BATCH = 16384
NUM_FIELDS = len(FIELD_DIMS)


def setup_inputs(seed: int = 0) -> dict:
    key = jax.random.key(seed)
    k_idx, k_w = jax.random.split(key)
    x = jax.random.randint(k_idx, (BATCH, NUM_FIELDS), 0, 100000, dtype=jnp.int64 if jax.config.read('jax_enable_x64') else jnp.int32)
    x = x.astype(jnp.int32)
    # xavier_uniform init for embedding table [NUM_EMBEDDINGS, EMBED_DIM]
    fan_in, fan_out = NUM_EMBEDDINGS, EMBED_DIM
    limit = float(np.sqrt(6.0 / (fan_in + fan_out)))
    weight = jax.random.uniform(k_w, (NUM_EMBEDDINGS, EMBED_DIM), dtype=jnp.float32, minval=-limit, maxval=limit)
    return {"x": x, "weight": weight}


def reference(x, weight):
    offsets = jnp.asarray(np.array((0, *np.cumsum(FIELD_DIMS)[:-1]), dtype=np.int32))
    idx = x + offsets[None, :]
    return jnp.take(weight, idx, axis=0)

if __name__ == "__main__":
    import jax
    _d = setup_inputs()
    print(jax.jit(kernel)(*tuple(_d.values())))

</pallas_src>

<mosaic_0001>
#map = affine_map<(d0, d1) -> (0, 0)>
#map1 = affine_map<(d0, d1) -> (0)>
module attributes {stable_mosaic.version = 14 : i64} {
  func.func @k(%arg0: i32, %arg1: i32, %arg2: memref<16x2600000xf32, #tpu.memory_space<hbm>>, %arg3: memref<1024xf32, #tpu.memory_space<hbm>>, %arg4: memref<41600000xf32, #tpu.memory_space<hbm>>, %arg5: memref<16x256xf32, #tpu.memory_space<vmem>>, %arg6: memref<16x256xf32, #tpu.memory_space<vmem>>, %arg7: memref<4096xf32, #tpu.memory_space<vmem>>, %arg8: memref<4096xf32, #tpu.memory_space<vmem>>, %arg9: memref<!tpu.dma_semaphore, #tpu.memory_space<semaphore_mem>>, %arg10: memref<!tpu.dma_semaphore, #tpu.memory_space<semaphore_mem>>, %arg11: memref<!tpu.dma_semaphore, #tpu.memory_space<semaphore_mem>>, %arg12: memref<!tpu.dma_semaphore, #tpu.memory_space<semaphore_mem>>) attributes {dimension_semantics = [#tpu.dimension_semantics<core_parallel>, #tpu.dimension_semantics<subcore_parallel>], iteration_bounds = array<i64: 2, 16>, scalar_prefetch = 0 : i64, scratch_operands = 8 : i64, tpu.core_type = #tpu.core_type<sc_vector_subcore>, window_params = [{transform_indices = #map}, {transform_indices = #map1}, {transform_indices = #map1}]} {
    %mul3A = arith.constant 2 : i32
    %mul3A_0 = arith.muli %arg1, %mul3A : i32
    %add3A = arith.addi %mul3A_0, %arg0 : i32
    %iota3A = tpu.iota {dimensions = array<i32: 0>} : vector<16xi32>
    %add3A_1 = arith.constant 0 : i32
    %add3A_2 = arith.addi %add3A, %add3A_1 : i32
    %lt3A = arith.constant 10156 : i32
    %lt3A_3 = arith.cmpi slt, %add3A_2, %lt3A : i32
    %sub3A = arith.constant 10156 : i32
    %sub3A_4 = arith.subi %add3A_2, %sub3A : i32
    %select_n3A = arith.select %lt3A_3, %add3A_2, %sub3A_4 : i32
    %mul3A_5 = arith.constant 256 : i32
    %mul3A_6 = arith.muli %select_n3A, %mul3A_5 : i32
    %dma_start3A = arith.constant 0 : i32
    %dma_start3A_7 = tpu.memref_slice %arg2[%dma_start3A, %mul3A_6] : memref<16x2600000xf32, #tpu.memory_space<hbm>> -> memref<16x256xf32, #tpu.memory_space<hbm>>
    %dma_start3A_8 = arith.constant 0 : i32
    %dma_start3A_9 = tpu.memref_slice %arg2[%dma_start3A_8, %mul3A_6] : memref<16x2600000xf32, #tpu.memory_space<hbm>> -> memref<16x256xf32, #tpu.memory_space<hbm>>
    tpu.enqueue_dma source(%dma_start3A_9 : memref<16x256xf32, #tpu.memory_space<hbm>>) target(%arg5 : memref<16x256xf32, #tpu.memory_space<vmem>>) target_semaphore(%arg9 : memref<!tpu.dma_semaphore, #tpu.memory_space<semaphore_mem>>)
    %add3A_10 = arith.constant 32 : i32
    %add3A_11 = arith.addi %add3A, %add3A_10 : i32
    %lt3A_12 = arith.constant 10156 : i32
    %lt3A_13 = arith.cmpi slt, %add3A_11, %lt3A_12 : i32
    %sub3A_14 = arith.constant 10156 : i32
    %sub3A_15 = arith.subi %add3A_11, %sub3A_14 : i32
    %select_n3A_16 = arith.select %lt3A_13, %add3A_11, %sub3A_15 : i32
    %mul3A_17 = arith.constant 256 : i32
    %mul3A_18 = arith.muli %select_n3A_16, %mul3A_17 : i32
    %dma_start3A_19 = arith.constant 0 : i32
    %dma_start3A_20 = tpu.memref_slice %arg2[%dma_start3A_19, %mul3A_18] : memref<16x2600000xf32, #tpu.memory_space<hbm>> -> memref<16x256xf32, #tpu.memory_space<hbm>>
    %dma_start3A_21 = arith.constant 0 : i32
    %dma_start3A_22 = tpu.memref_slice %arg2[%dma_start3A_21, %mul3A_18] : memref<16x2600000xf32, #tpu.memory_space<hbm>> -> memref<16x256xf32, #tpu.memory_space<hbm>>
    tpu.enqueue_dma source(%dma_start3A_22 : memref<16x256xf32, #tpu.memory_space<hbm>>) target(%arg6 : memref<16x256xf32, #tpu.memory_space<vmem>>) target_semaphore(%arg10 : memref<!tpu.dma_semaphore, #tpu.memory_space<semaphore_mem>>)
    %scan3A = arith.constant 0 : i32
    %scan3A_23 = arith.constant 159 : i32
    %scan3A_24 = arith.addi %scan3A, %scan3A_23 : i32
    %scan3A_25 = arith.constant 1 : i32
    scf.for %scan3A_36 = %scan3A to %scan3A_24 step %scan3A_25  : i32 {
      %mul3A_37 = arith.constant 2 : i32
      %mul3A_38 = arith.muli %mul3A_37, %scan3A_36 : i32
      %mul3A_39 = arith.constant 32 : i32
      %mul3A_40 = arith.muli %mul3A_38, %mul3A_39 : i32
      %add3A_41 = arith.addi %add3A, %mul3A_40 : i32
      %lt3A_42 = arith.constant 10156 : i32
      %lt3A_43 = arith.cmpi slt, %add3A_41, %lt3A_42 : i32
      %sub3A_44 = arith.constant 10156 : i32
      %sub3A_45 = arith.subi %add3A_41, %sub3A_44 : i32
      %select_n3A_46 = arith.select %lt3A_43, %add3A_41, %sub3A_45 : i32
      %mul3A_47 = arith.constant 2 : i32
      %mul3A_48 = arith.muli %mul3A_47, %scan3A_36 : i32
      %add3A_49 = arith.constant 1 : i32
      %add3A_50 = arith.addi %mul3A_48, %add3A_49 : i32
      %mul3A_51 = arith.constant 32 : i32
      %mul3A_52 = arith.muli %add3A_50, %mul3A_51 : i32
      %add3A_53 = arith.addi %add3A, %mul3A_52 : i32
      %lt3A_54 = arith.constant 10156 : i32
      %lt3A_55 = arith.cmpi slt, %add3A_53, %lt3A_54 : i32
      %sub3A_56 = arith.constant 10156 : i32
      %sub3A_57 = arith.subi %add3A_53, %sub3A_56 : i32
      %select_n3A_58 = arith.select %lt3A_55, %add3A_53, %sub3A_57 : i32
      %gt3A = arith.constant 0 : i32
      %gt3A_59 = arith.cmpi sgt, %scan3A_36, %gt3A : i32
      %convert_element_type3A_60 = arith.extui %gt3A_59 : i1 to i32
      %cond3A_61 = arith.constant 0 : i32
      %cond3A_62 = arith.cmpi ne, %convert_element_type3A_60, %cond3A_61 : i32
      scf.if %cond3A_62 {
        %dma_wait3A_108 = arith.constant 0 : i32
        %dma_wait3A_109 = tpu.memref_slice %arg4[%dma_wait3A_108] : memref<41600000xf32, #tpu.memory_space<hbm>> -> memref<4096xf32, #tpu.memory_space<hbm>>
        %dma_wait3A_110 = arith.constant 0 : i32
        %dma_wait3A_111 = tpu.memref_slice %arg4[%dma_wait3A_110] : memref<41600000xf32, #tpu.memory_space<hbm>> -> memref<4096xf32, #tpu.memory_space<hbm>>
        tpu.wait_dma2 semaphore(%arg11 : memref<!tpu.dma_semaphore, #tpu.memory_space<semaphore_mem>>) src(%arg7 : memref<4096xf32, #tpu.memory_space<vmem>>) dst(%dma_wait3A_111 : memref<4096xf32, #tpu.memory_space<hbm>>)
      } else {
      }
      %mul3A_63 = arith.constant 256 : i32
      %mul3A_64 = arith.muli %select_n3A_46, %mul3A_63 : i32
      %dma_wait3A_65 = arith.constant 0 : i32
      %dma_wait3A_66 = tpu.memref_slice %arg2[%dma_wait3A_65, %mul3A_64] : memref<16x2600000xf32, #tpu.memory_space<hbm>> -> memref<16x256xf32, #tpu.memory_space<hbm>>
      %dma_wait3A_67 = arith.constant 0 : i32
      %dma_wait3A_68 = tpu.memref_slice %arg2[%dma_wait3A_67, %mul3A_64] : memref<16x2600000xf32, #tpu.memory_space<hbm>> -> memref<16x256xf32, #tpu.memory_space<hbm>>
      tpu.wait_dma2 semaphore(%arg9 : memref<!tpu.dma_semaphore, #tpu.memory_space<semaphore_mem>>) src(%dma_wait3A_68 : memref<16x256xf32, #tpu.memory_space<hbm>>) dst(%arg5 : memref<16x256xf32, #tpu.memory_space<vmem>>)
      %scan3A_69 = arith.constant 0 : i32
      %scan3A_70 = arith.constant 16 : i32
      %scan3A_71 = arith.addi %scan3A_69, %scan3A_70 : i32
      %scan3A_72 = arith.constant 1 : i32
      scf.for %scan3A_108 = %scan3A_69 to %scan3A_71 step %scan3A_72  : i32 {
        %mul3A_109 = arith.constant 16 : i32
        %mul3A_110 = arith.muli %scan3A_108, %mul3A_109 : i32
        %add3A_111 = vector.broadcast %mul3A_110 : i32 to vector<16xi32>
        %add3A_112 = arith.addi %add3A_111, %iota3A : vector<16xi32>
        %add3A_113 = arith.constant 0 : i32
        %add3A_114 = vector.broadcast %add3A_113 : i32 to vector<16xi32>
        %add3A_115 = arith.addi %add3A_114, %iota3A : vector<16xi32>
        %and3A = arith.constant 15 : i32
        %and3A_116 = vector.broadcast %and3A : i32 to vector<16xi32>
        %and3A_117 = arith.andi %add3A_115, %and3A_116 : vector<16xi32>
        %gather3A = tpu.vector_load_idx %arg5[%and3A_117, %add3A_112] : memref<16x256xf32, #tpu.memory_space<vmem>>[vector<16xi32>, vector<16xi32>], vector<16xf32>,
        %mul3A_118 = arith.constant 16 : i32
        %mul3A_119 = vector.broadcast %mul3A_118 : i32 to vector<16xi32>
        %mul3A_120 = arith.muli %add3A_112, %mul3A_119 : vector<16xi32>
        %add3A_121 = arith.addi %mul3A_120, %and3A_117 : vector<16xi32>
        tpu.vector_store_idx %arg7[%add3A_121], %gather3A : memref<4096xf32, #tpu.memory_space<vmem>>[vector<16xi32>], vector<16xf32>,
        %add3A_122 = arith.constant 1 : i32
        %add3A_123 = vector.broadcast %add3A_122 : i32 to vector<16xi32>
        %add3A_124 = arith.addi %add3A_123, %iota3A : vector<16xi32>
        %and3A_125 = arith.constant 15 : i32
        %and3A_126 = vector.broadcast %and3A_125 : i32 to vector<16xi32>
        %and3A_127 = arith.andi %add3A_124, %and3A_126 : vector<16xi32>
        %gather3A_128 = tpu.vector_load_idx %arg5[%and3A_127, %add3A_112] : memref<16x256xf32, #tpu.memory_space<vmem>>[vector<16xi32>, vector<16xi32>], vector<16xf32>,
        %mul3A_129 = arith.constant 16 : i32
        %mul3A_130 = vector.broadcast %mul3A_129 : i32 to vector<16xi32>
        %mul3A_131 = arith.muli %add3A_112, %mul3A_130 : vector<16xi32>
        %add3A_132 = arith.addi %mul3A_131, %and3A_127 : vector<16xi32>
        tpu.vector_store_idx %arg7[%add3A_132], %gather3A_128 : memref<4096xf32, #tpu.memory_space<vmem>>[vector<16xi32>], vector<16xf32>,
        %add3A_133 = arith.constant 2 : i32
        %add3A_134 = vector.broadcast %add3A_133 : i32 to vector<16xi32>
        %add3A_135 = arith.addi %add3A_134, %iota3A : vector<16xi32>
        %and3A_136 = arith.constant 15 : i32
        %and3A_137 = vector.broadcast %and3A_136 : i32 to vector<16xi32>
        %and3A_138 = arith.andi %add3A_135, %and3A_137 : vector<16xi32>
        %gather3A_139 = tpu.vector_load_idx %arg5[%and3A_138, %add3A_112] : memref<16x256xf32, #tpu.memory_space<vmem>>[vector<16xi32>, vector<16xi32>], vector<16xf32>,
        %mul3A_140 = arith.constant 16 : i32
        %mul3A_141 = vector.broadcast %mul3A_140 : i32 to vector<16xi32>
        %mul3A_142 = arith.muli %add3A_112, %mul3A_141 : vector<16xi32>
        %add3A_143 = arith.addi %mul3A_142, %and3A_138 : vector<16xi32>
        tpu.vector_store_idx %arg7[%add3A_143], %gather3A_139 : memref<4096xf32, #tpu.memory_space<vmem>>[vector<16xi32>], vector<16xf32>,
        %add3A_144 = arith.constant 3 : i32
        %add3A_145 = vector.broadcast %add3A_144 : i32 to vector<16xi32>
        %add3A_146 = arith.addi %add3A_145, %iota3A : vector<16xi32>
        %and3A_147 = arith.constant 15 : i32
        %and3A_148 = vector.broadcast %and3A_147 : i32 to vector<16xi32>
        %and3A_149 = arith.andi %add3A_146, %and3A_148 : vector<16xi32>
        %gather3A_150 = tpu.vector_load_idx %arg5[%and3A_149, %add3A_112] : memref<16x256xf32, #tpu.memory_space<vmem>>[vector<16xi32>, vector<16xi32>], vector<16xf32>,
        %mul3A_151 = arith.constant 16 : i32
        %mul3A_152 = vector.broadcast %mul3A_151 : i32 to vector<16xi32>
        %mul3A_153 = arith.muli %add3A_112, %mul3A_152 : vector<16xi32>
        %add3A_154 = arith.addi %mul3A_153, %and3A_149 : vector<16xi32>
        tpu.vector_store_idx %arg7[%add3A_154], %gather3A_150 : memref<4096xf32, #tpu.memory_space<vmem>>[vector<16xi32>], vector<16xf32>,
        %add3A_155 = arith.constant 4 : i32
        %add3A_156 = vector.broadcast %add3A_155 : i32 to vector<16xi32>
        %add3A_157 = arith.addi %add3A_156, %iota3A : vector<16xi32>
        %and3A_158 = arith.constant 15 : i32
        %and3A_159 = vector.broadcast %and3A_158 : i32 to vector<16xi32>
        %and3A_160 = arith.andi %add3A_157, %and3A_159 : vector<16xi32>
        %gather3A_161 = tpu.vector_load_idx %arg5[%and3A_160, %add3A_112] : memref<16x256xf32, #tpu.memory_space<vmem>>[vector<16xi32>, vector<16xi32>], vector<16xf32>,
        %mul3A_162 = arith.constant 16 : i32
        %mul3A_163 = vector.broadcast %mul3A_162 : i32 to vector<16xi32>
        %mul3A_164 = arith.muli %add3A_112, %mul3A_163 : vector<16xi32>
        %add3A_165 = arith.addi %mul3A_164, %and3A_160 : vector<16xi32>
        tpu.vector_store_idx %arg7[%add3A_165], %gather3A_161 : memref<4096xf32, #tpu.memory_space<vmem>>[vector<16xi32>], vector<16xf32>,
        %add3A_166 = arith.constant 5 : i32
        %add3A_167 = vector.broadcast %add3A_166 : i32 to vector<16xi32>
        %add3A_168 = arith.addi %add3A_167, %iota3A : vector<16xi32>
        %and3A_169 = arith.constant 15 : i32
        %and3A_170 = vector.broadcast %and3A_169 : i32 to vector<16xi32>
        %and3A_171 = arith.andi %add3A_168, %and3A_170 : vector<16xi32>
        %gather3A_172 = tpu.vector_load_idx %arg5[%and3A_171, %add3A_112] : memref<16x256xf32, #tpu.memory_space<vmem>>[vector<16xi32>, vector<16xi32>], vector<16xf32>,
        %mul3A_173 = arith.constant 16 : i32
        %mul3A_174 = vector.broadcast %mul3A_173 : i32 to vector<16xi32>
        %mul3A_175 = arith.muli %add3A_112, %mul3A_174 : vector<16xi32>
        %add3A_176 = arith.addi %mul3A_175, %and3A_171 : vector<16xi32>
        tpu.vector_store_idx %arg7[%add3A_176], %gather3A_172 : memref<4096xf32, #tpu.memory_space<vmem>>[vector<16xi32>], vector<16xf32>,
        %add3A_177 = arith.constant 6 : i32
        %add3A_178 = vector.broadcast %add3A_177 : i32 to vector<16xi32>
        %add3A_179 = arith.addi %add3A_178, %iota3A : vector<16xi32>
        %and3A_180 = arith.constant 15 : i32
        %and3A_181 = vector.broadcast %and3A_180 : i32 to vector<16xi32>
        %and3A_182 = arith.andi %add3A_179, %and3A_181 : vector<16xi32>
        %gather3A_183 = tpu.vector_load_idx %arg5[%and3A_182, %add3A_112] : memref<16x256xf32, #tpu.memory_space<vmem>>[vector<16xi32>, vector<16xi32>], vector<16xf32>,
        %mul3A_184 = arith.constant 16 : i32
        %mul3A_185 = vector.broadcast %mul3A_184 : i32 to vector<16xi32>
        %mul3A_186 = arith.muli %add3A_112, %mul3A_185 : vector<16xi32>
        %add3A_187 = arith.addi %mul3A_186, %and3A_182 : vector<16xi32>
        tpu.vector_store_idx %arg7[%add3A_187], %gather3A_183 : memref<4096xf32, #tpu.memory_space<vmem>>[vector<16xi32>], vector<16xf32>,
        %add3A_188 = arith.constant 7 : i32
        %add3A_189 = vector.broadcast %add3A_188 : i32 to vector<16xi32>
        %add3A_190 = arith.addi %add3A_189, %iota3A : vector<16xi32>
        %and3A_191 = arith.constant 15 : i32
        %and3A_192 = vector.broadcast %and3A_191 : i32 to vector<16xi32>
        %and3A_193 = arith.andi %add3A_190, %and3A_192 : vector<16xi32>
        %gather3A_194 = tpu.vector_load_idx %arg5[%and3A_193, %add3A_112] : memref<16x256xf32, #tpu.memory_space<vmem>>[vector<16xi32>, vector<16xi32>], vector<16xf32>,
        %mul3A_195 = arith.constant 16 : i32
        %mul3A_196 = vector.broadcast %mul3A_195 : i32 to vector<16xi32>
        %mul3A_197 = arith.muli %add3A_112, %mul3A_196 : vector<16xi32>
        %add3A_198 = arith.addi %mul3A_197, %and3A_193 : vector<16xi32>
        tpu.vector_store_idx %arg7[%add3A_198], %gather3A_194 : memref<4096xf32, #tpu.memory_space<vmem>>[vector<16xi32>], vector<16xf32>,
        %add3A_199 = arith.constant 8 : i32
        %add3A_200 = vector.broadcast %add3A_199 : i32 to vector<16xi32>
        %add3A_201 = arith.addi %add3A_200, %iota3A : vector<16xi32>
        %and3A_202 = arith.constant 15 : i32
        %and3A_203 = vector.broadcast %and3A_202 : i32 to vector<16xi32>
        %and3A_204 = arith.andi %add3A_201, %and3A_203 : vector<16xi32>
        %gather3A_205 = tpu.vector_load_idx %arg5[%and3A_204, %add3A_112] : memref<16x256xf32, #tpu.memory_space<vmem>>[vector<16xi32>, vector<16xi32>], vector<16xf32>,
        %mul3A_206 = arith.constant 16 : i32
        %mul3A_207 = vector.broadcast %mul3A_206 : i32 to vector<16xi32>
        %mul3A_208 = arith.muli %add3A_112, %mul3A_207 : vector<16xi32>
        %add3A_209 = arith.addi %mul3A_208, %and3A_204 : vector<16xi32>
        tpu.vector_store_idx %arg7[%add3A_209], %gather3A_205 : memref<4096xf32, #tpu.memory_space<vmem>>[vector<16xi32>], vector<16xf32>,
        %add3A_210 = arith.constant 9 : i32
        %add3A_211 = vector.broadcast %add3A_210 : i32 to vector<16xi32>
        %add3A_212 = arith.addi %add3A_211, %iota3A : vector<16xi32>
        %and3A_213 = arith.constant 15 : i32
        %and3A_214 = vector.broadcast %and3A_213 : i32 to vector<16xi32>
        %and3A_215 = arith.andi %add3A_212, %and3A_214 : vector<16xi32>
        %gather3A_216 = tpu.vector_load_idx %arg5[%and3A_215, %add3A_112] : memref<16x256xf32, #tpu.memory_space<vmem>>[vector<16xi32>, vector<16xi32>], vector<16xf32>,
        %mul3A_217 = arith.constant 16 : i32
        %mul3A_218 = vector.broadcast %mul3A_217 : i32 to vector<16xi32>
        %mul3A_219 = arith.muli %add3A_112, %mul3A_218 : vector<16xi32>
        %add3A_220 = arith.addi %mul3A_219, %and3A_215 : vector<16xi32>
        tpu.vector_store_idx %arg7[%add3A_220], %gather3A_216 : memref<4096xf32, #tpu.memory_space<vmem>>[vector<16xi32>], vector<16xf32>,
        %add3A_221 = arith.constant 10 : i32
        %add3A_222 = vector.broadcast %add3A_221 : i32 to vector<16xi32>
        %add3A_223 = arith.addi %add3A_222, %iota3A : vector<16xi32>
        %and3A_224 = arith.constant 15 : i32
        %and3A_225 = vector.broadcast %and3A_224 : i32 to vector<16xi32>
        %and3A_226 = arith.andi %add3A_223, %and3A_225 : vector<16xi32>
        %gather3A_227 = tpu.vector_load_idx %arg5[%and3A_226, %add3A_112] : memref<16x256xf32, #tpu.memory_space<vmem>>[vector<16xi32>, vector<16xi32>], vector<16xf32>,
        %mul3A_228 = arith.constant 16 : i32
        %mul3A_229 = vector.broadcast %mul3A_228 : i32 to vector<16xi32>
        %mul3A_230 = arith.muli %add3A_112, %mul3A_229 : vector<16xi32>
        %add3A_231 = arith.addi %mul3A_230, %and3A_226 : vector<16xi32>
        tpu.vector_store_idx %arg7[%add3A_231], %gather3A_227 : memref<4096xf32, #tpu.memory_space<vmem>>[vector<16xi32>], vector<16xf32>,
        %add3A_232 = arith.constant 11 : i32
        %add3A_233 = vector.broadcast %add3A_232 : i32 to vector<16xi32>
        %add3A_234 = arith.addi %add3A_233, %iota3A : vector<16xi32>
        %and3A_235 = arith.constant 15 : i32
        %and3A_236 = vector.broadcast %and3A_235 : i32 to vector<16xi32>
        %and3A_237 = arith.andi %add3A_234, %and3A_236 : vector<16xi32>
        %gather3A_238 = tpu.vector_load_idx %arg5[%and3A_237, %add3A_112] : memref<16x256xf32, #tpu.memory_space<vmem>>[vector<16xi32>, vector<16xi32>], vector<16xf32>,
        %mul3A_239 = arith.constant 16 : i32
        %mul3A_240 = vector.broadcast %mul3A_239 : i32 to vector<16xi32>
        %mul3A_241 = arith.muli %add3A_112, %mul3A_240 : vector<16xi32>
        %add3A_242 = arith.addi %mul3A_241, %and3A_237 : vector<16xi32>
        tpu.vector_store_idx %arg7[%add3A_242], %gather3A_238 : memref<4096xf32, #tpu.memory_space<vmem>>[vector<16xi32>], vector<16xf32>,
        %add3A_243 = arith.constant 12 : i32
        %add3A_244 = vector.broadcast %add3A_243 : i32 to vector<16xi32>
        %add3A_245 = arith.addi %add3A_244, %iota3A : vector<16xi32>
        %and3A_246 = arith.constant 15 : i32
        %and3A_247 = vector.broadcast %and3A_246 : i32 to vector<16xi32>
        %and3A_248 = arith.andi %add3A_245, %and3A_247 : vector<16xi32>
        %gather3A_249 = tpu.vector_load_idx %arg5[%and3A_248, %add3A_112] : memref<16x256xf32, #tpu.memory_space<vmem>>[vector<16xi32>, vector<16xi32>], vector<16xf32>,
        %mul3A_250 = arith.constant 16 : i32
        %mul3A_251 = vector.broadcast %mul3A_250 : i32 to vector<16xi32>
        %mul3A_252 = arith.muli %add3A_112, %mul3A_251 : vector<16xi32>
        %add3A_253 = arith.addi %mul3A_252, %and3A_248 : vector<16xi32>
        tpu.vector_store_idx %arg7[%add3A_253], %gather3A_249 : memref<4096xf32, #tpu.memory_space<vmem>>[vector<16xi32>], vector<16xf32>,
        %add3A_254 = arith.constant 13 : i32
        %add3A_255 = vector.broadcast %add3A_254 : i32 to vector<16xi32>
        %add3A_256 = arith.addi %add3A_255, %iota3A : vector<16xi32>
        %and3A_257 = arith.constant 15 : i32
        %and3A_258 = vector.broadcast %and3A_257 : i32 to vector<16xi32>
        %and3A_259 = arith.andi %add3A_256, %and3A_258 : vector<16xi32>
        %gather3A_260 = tpu.vector_load_idx %arg5[%and3A_259, %add3A_112] : memref<16x256xf32, #tpu.memory_space<vmem>>[vector<16xi32>, vector<16xi32>], vector<16xf32>,
        %mul3A_261 = arith.constant 16 : i32
        %mul3A_262 = vector.broadcast %mul3A_261 : i32 to vector<16xi32>
        %mul3A_263 = arith.muli %add3A_112, %mul3A_262 : vector<16xi32>
        %add3A_264 = arith.addi %mul3A_263, %and3A_259 : vector<16xi32>
        tpu.vector_store_idx %arg7[%add3A_264], %gather3A_260 : memref<4096xf32, #tpu.memory_space<vmem>>[vector<16xi32>], vector<16xf32>,
        %add3A_265 = arith.constant 14 : i32
        %add3A_266 = vector.broadcast %add3A_265 : i32 to vector<16xi32>
        %add3A_267 = arith.addi %add3A_266, %iota3A : vector<16xi32>
        %and3A_268 = arith.constant 15 : i32
        %and3A_269 = vector.broadcast %and3A_268 : i32 to vector<16xi32>
        %and3A_270 = arith.andi %add3A_267, %and3A_269 : vector<16xi32>
        %gather3A_271 = tpu.vector_load_idx %arg5[%and3A_270, %add3A_112] : memref<16x256xf32, #tpu.memory_space<vmem>>[vector<16xi32>, vector<16xi32>], vector<16xf32>,
        %mul3A_272 = arith.constant 16 : i32
        %mul3A_273 = vector.broadcast %mul3A_272 : i32 to vector<16xi32>
        %mul3A_274 = arith.muli %add3A_112, %mul3A_273 : vector<16xi32>
        %add3A_275 = arith.addi %mul3A_274, %and3A_270 : vector<16xi32>
        tpu.vector_store_idx %arg7[%add3A_275], %gather3A_271 : memref<4096xf32, #tpu.memory_space<vmem>>[vector<16xi32>], vector<16xf32>,
        %add3A_276 = arith.constant 15 : i32
        %add3A_277 = vector.broadcast %add3A_276 : i32 to vector<16xi32>
        %add3A_278 = arith.addi %add3A_277, %iota3A : vector<16xi32>
        %and3A_279 = arith.constant 15 : i32
        %and3A_280 = vector.broadcast %and3A_279 : i32 to vector<16xi32>
        %and3A_281 = arith.andi %add3A_278, %and3A_280 : vector<16xi32>
        %gather3A_282 = tpu.vector_load_idx %arg5[%and3A_281, %add3A_112] : memref<16x256xf32, #tpu.memory_space<vmem>>[vector<16xi32>, vector<16xi32>], vector<16xf32>,
        %mul3A_283 = arith.constant 16 : i32
        %mul3A_284 = vector.broadcast %mul3A_283 : i32 to vector<16xi32>
        %mul3A_285 = arith.muli %add3A_112, %mul3A_284 : vector<16xi32>
        %add3A_286 = arith.addi %mul3A_285, %and3A_281 : vector<16xi32>
        tpu.vector_store_idx %arg7[%add3A_286], %gather3A_282 : memref<4096xf32, #tpu.memory_space<vmem>>[vector<16xi32>], vector<16xf32>,
      }
      %scan3A_73 = arith.constant 16 : i32
      %mul3A_74 = arith.constant 4096 : i32
      %mul3A_75 = arith.muli %select_n3A_46, %mul3A_74 : i32
      %dma_start3A_76 = tpu.memref_slice %arg4[%mul3A_75] : memref<41600000xf32, #tpu.memory_space<hbm>> -> memref<4096xf32, #tpu.memory_space<hbm>>
      %dma_start3A_77 = tpu.memref_slice %arg4[%mul3A_75] : memref<41600000xf32, #tpu.memory_space<hbm>> -> memref<4096xf32, #tpu.memory_space<hbm>>
      tpu.enqueue_dma source(%arg7 : memref<4096xf32, #tpu.memory_space<vmem>>) target(%dma_start3A_77 : memref<4096xf32, #tpu.memory_space<hbm>>) target_semaphore(%arg11 : memref<!tpu.dma_semaphore, #tpu.memory_space<semaphore_mem>>)
      %lt3A_78 = arith.constant 158 : i32
      %lt3A_79 = arith.cmpi slt, %scan3A_36, %lt3A_78 : i32
      %convert_element_type3A_80 = arith.extui %lt3A_79 : i1 to i32
      %cond3A_81 = arith.constant 0 : i32
      %cond3A_82 = arith.cmpi ne, %convert_element_type3A_80, %cond3A_81 : i32
      scf.if %cond3A_82 {
        %mul3A_108 = arith.constant 2 : i32
        %mul3A_109 = arith.muli %mul3A_108, %scan3A_36 : i32
        %add3A_110 = arith.constant 2 : i32
        %add3A_111 = arith.addi %mul3A_109, %add3A_110 : i32
        %mul3A_112 = arith.constant 32 : i32
        %mul3A_113 = arith.muli %add3A_111, %mul3A_112 : i32
        %add3A_114 = arith.addi %add3A, %mul3A_113 : i32
        %lt3A_115 = arith.constant 10156 : i32
        %lt3A_116 = arith.cmpi slt, %add3A_114, %lt3A_115 : i32
        %sub3A_117 = arith.constant 10156 : i32
        %sub3A_118 = arith.subi %add3A_114, %sub3A_117 : i32
        %select_n3A_119 = arith.select %lt3A_116, %add3A_114, %sub3A_118 : i32
        %mul3A_120 = arith.constant 256 : i32
        %mul3A_121 = arith.muli %select_n3A_119, %mul3A_120 : i32
        %dma_start3A_122 = arith.constant 0 : i32
        %dma_start3A_123 = tpu.memref_slice %arg2[%dma_start3A_122, %mul3A_121] : memref<16x2600000xf32, #tpu.memory_space<hbm>> -> memref<16x256xf32, #tpu.memory_space<hbm>>
        %dma_start3A_124 = arith.constant 0 : i32
        %dma_start3A_125 = tpu.memref_slice %arg2[%dma_start3A_124, %mul3A_121] : memref<16x2600000xf32, #tpu.memory_space<hbm>> -> memref<16x256xf32, #tpu.memory_space<hbm>>
        tpu.enqueue_dma source(%dma_start3A_125 : memref<16x256xf32, #tpu.memory_space<hbm>>) target(%arg5 : memref<16x256xf32, #tpu.memory_space<vmem>>) target_semaphore(%arg9 : memref<!tpu.dma_semaphore, #tpu.memory_space<semaphore_mem>>)
      } else {
      }
      %gt3A_83 = arith.constant 0 : i32
      %gt3A_84 = arith.cmpi sgt, %scan3A_36, %gt3A_83 : i32
      %convert_element_type3A_85 = arith.extui %gt3A_84 : i1 to i32
      %cond3A_86 = arith.constant 0 : i32
      %cond3A_87 = arith.cmpi ne, %convert_element_type3A_85, %cond3A_86 : i32
      scf.if %cond3A_87 {
        %dma_wait3A_108 = arith.constant 0 : i32
        %dma_wait3A_109 = tpu.memref_slice %arg4[%dma_wait3A_108] : memref<41600000xf32, #tpu.memory_space<hbm>> -> memref<4096xf32, #tpu.memory_space<hbm>>
        %dma_wait3A_110 = arith.constant 0 : i32
        %dma_wait3A_111 = tpu.memref_slice %arg4[%dma_wait3A_110] : memref<41600000xf32, #tpu.memory_space<hbm>> -> memref<4096xf32, #tpu.memory_space<hbm>>
        tpu.wait_dma2 semaphore(%arg12 : memref<!tpu.dma_semaphore, #tpu.memory_space<semaphore_mem>>) src(%arg8 : memref<4096xf32, #tpu.memory_space<vmem>>) dst(%dma_wait3A_111 : memref<4096xf32, #tpu.memory_space<hbm>>)
      } else {
      }
      %mul3A_88 = arith.constant 256 : i32
      %mul3A_89 = arith.muli %select_n3A_58, %mul3A_88 : i32
      %dma_wait3A_90 = arith.constant 0 : i32
      %dma_wait3A_91 = tpu.memref_slice %arg2[%dma_wait3A_90, %mul3A_89] : memref<16x2600000xf32, #tpu.memory_space<hbm>> -> memref<16x256xf32, #tpu.memory_space<hbm>>
      %dma_wait3A_92 = arith.constant 0 : i32
      %dma_wait3A_93 = tpu.memref_slice %arg2[%dma_wait3A_92, %mul3A_89] : memref<16x2600000xf32, #tpu.memory_space<hbm>> -> memref<16x256xf32, #tpu.memory_space<hbm>>
      tpu.wait_dma2 semaphore(%arg10 : memref<!tpu.dma_semaphore, #tpu.memory_space<semaphore_mem>>) src(%dma_wait3A_93 : memref<16x256xf32, #tpu.memory_space<hbm>>) dst(%arg6 : memref<16x256xf32, #tpu.memory_space<vmem>>)
      %scan3A_94 = arith.constant 0 : i32
      %scan3A_95 = arith.constant 16 : i32
      %scan3A_96 = arith.addi %scan3A_94, %scan3A_95 : i32
      %scan3A_97 = arith.constant 1 : i32
      scf.for %scan3A_108 = %scan3A_94 to %scan3A_96 step %scan3A_97  : i32 {
        %mul3A_109 = arith.constant 16 : i32
        %mul3A_110 = arith.muli %scan3A_108, %mul3A_109 : i32
        %add3A_111 = vector.broadcast %mul3A_110 : i32 to vector<16xi32>
        %add3A_112 = arith.addi %add3A_111, %iota3A : vector<16xi32>
        %add3A_113 = arith.constant 0 : i32
        %add3A_114 = vector.broadcast %add3A_113 : i32 to vector<16xi32>
        %add3A_115 = arith.addi %add3A_114, %iota3A : vector<16xi32>
        %and3A = arith.constant 15 : i32
        %and3A_116 = vector.broadcast %and3A : i32 to vector<16xi32>
        %and3A_117 = arith.andi %add3A_115, %and3A_116 : vector<16xi32>
        %gather3A = tpu.vector_load_idx %arg6[%and3A_117, %add3A_112] : memref<16x256xf32, #tpu.memory_space<vmem>>[vector<16xi32>, vector<16xi32>], vector<16xf32>,
        %mul3A_118 = arith.constant 16 : i32
        %mul3A_119 = vector.broadcast %mul3A_118 : i32 to vector<16xi32>
        %mul3A_120 = arith.muli %add3A_112, %mul3A_119 : vector<16xi32>
        %add3A_121 = arith.addi %mul3A_120, %and3A_117 : vector<16xi32>
        tpu.vector_store_idx %arg8[%add3A_121], %gather3A : memref<4096xf32, #tpu.memory_space<vmem>>[vector<16xi32>], vector<16xf32>,
        %add3A_122 = arith.constant 1 : i32
        %add3A_123 = vector.broadcast %add3A_122 : i32 to vector<16xi32>
        %add3A_124 = arith.addi %add3A_123, %iota3A : vector<16xi32>
        %and3A_125 = arith.constant 15 : i32
        %and3A_126 = vector.broadcast %and3A_125 : i32 to vector<16xi32>
        %and3A_127 = arith.andi %add3A_124, %and3A_126 : vector<16xi32>
        %gather3A_128 = tpu.vector_load_idx %arg6[%and3A_127, %add3A_112] : memref<16x256xf32, #tpu.memory_space<vmem>>[vector<16xi32>, vector<16xi32>], vector<16xf32>,
        %mul3A_129 = arith.constant 16 : i32
        %mul3A_130 = vector.broadcast %mul3A_129 : i32 to vector<16xi32>
        %mul3A_131 = arith.muli %add3A_112, %mul3A_130 : vector<16xi32>
        %add3A_132 = arith.addi %mul3A_131, %and3A_127 : vector<16xi32>
        tpu.vector_store_idx %arg8[%add3A_132], %gather3A_128 : memref<4096xf32, #tpu.memory_space<vmem>>[vector<16xi32>], vector<16xf32>,
        %add3A_133 = arith.constant 2 : i32
        %add3A_134 = vector.broadcast %add3A_133 : i32 to vector<16xi32>
        %add3A_135 = arith.addi %add3A_134, %iota3A : vector<16xi32>
        %and3A_136 = arith.constant 15 : i32
        %and3A_137 = vector.broadcast %and3A_136 : i32 to vector<16xi32>
        %and3A_138 = arith.andi %add3A_135, %and3A_137 : vector<16xi32>
        %gather3A_139 = tpu.vector_load_idx %arg6[%and3A_138, %add3A_112] : memref<16x256xf32, #tpu.memory_space<vmem>>[vector<16xi32>, vector<16xi32>], vector<16xf32>,
        %mul3A_140 = arith.constant 16 : i32
        %mul3A_141 = vector.broadcast %mul3A_140 : i32 to vector<16xi32>
        %mul3A_142 = arith.muli %add3A_112, %mul3A_141 : vector<16xi32>
        %add3A_143 = arith.addi %mul3A_142, %and3A_138 : vector<16xi32>
        tpu.vector_store_idx %arg8[%add3A_143], %gather3A_139 : memref<4096xf32, #tpu.memory_space<vmem>>[vector<16xi32>], vector<16xf32>,
        %add3A_144 = arith.constant 3 : i32
        %add3A_145 = vector.broadcast %add3A_144 : i32 to vector<16xi32>
        %add3A_146 = arith.addi %add3A_145, %iota3A : vector<16xi32>
        %and3A_147 = arith.constant 15 : i32
        %and3A_148 = vector.broadcast %and3A_147 : i32 to vector<16xi32>
        %and3A_149 = arith.andi %add3A_146, %and3A_148 : vector<16xi32>
        %gather3A_150 = tpu.vector_load_idx %arg6[%and3A_149, %add3A_112] : memref<16x256xf32, #tpu.memory_space<vmem>>[vector<16xi32>, vector<16xi32>], vector<16xf32>,
        %mul3A_151 = arith.constant 16 : i32
        %mul3A_152 = vector.broadcast %mul3A_151 : i32 to vector<16xi32>
        %mul3A_153 = arith.muli %add3A_112, %mul3A_152 : vector<16xi32>
        %add3A_154 = arith.addi %mul3A_153, %and3A_149 : vector<16xi32>
        tpu.vector_store_idx %arg8[%add3A_154], %gather3A_150 : memref<4096xf32, #tpu.memory_space<vmem>>[vector<16xi32>], vector<16xf32>,
        %add3A_155 = arith.constant 4 : i32
        %add3A_156 = vector.broadcast %add3A_155 : i32 to vector<16xi32>
        %add3A_157 = arith.addi %add3A_156, %iota3A : vector<16xi32>
        %and3A_158 = arith.constant 15 : i32
        %and3A_159 = vector.broadcast %and3A_158 : i32 to vector<16xi32>
        %and3A_160 = arith.andi %add3A_157, %and3A_159 : vector<16xi32>
        %gather3A_161 = tpu.vector_load_idx %arg6[%and3A_160, %add3A_112] : memref<16x256xf32, #tpu.memory_space<vmem>>[vector<16xi32>, vector<16xi32>], vector<16xf32>,
        %mul3A_162 = arith.constant 16 : i32
        %mul3A_163 = vector.broadcast %mul3A_162 : i32 to vector<16xi32>
        %mul3A_164 = arith.muli %add3A_112, %mul3A_163 : vector<16xi32>
        %add3A_165 = arith.addi %mul3A_164, %and3A_160 : vector<16xi32>
        tpu.vector_store_idx %arg8[%add3A_165], %gather3A_161 : memref<4096xf32, #tpu.memory_space<vmem>>[vector<16xi32>], vector<16xf32>,
        %add3A_166 = arith.constant 5 : i32
        %add3A_167 = vector.broadcast %add3A_166 : i32 to vector<16xi32>
        %add3A_168 = arith.addi %add3A_167, %iota3A : vector<16xi32>
        %and3A_169 = arith.constant 15 : i32
        %and3A_170 = vector.broadcast %and3A_169 : i32 to vector<16xi32>
        %and3A_171 = arith.andi %add3A_168, %and3A_170 : vector<16xi32>
        %gather3A_172 = tpu.vector_load_idx %arg6[%and3A_171, %add3A_112] : memref<16x256xf32, #tpu.memory_space<vmem>>[vector<16xi32>, vector<16xi32>], vector<16xf32>,
        %mul3A_173 = arith.constant 16 : i32
        %mul3A_174 = vector.broadcast %mul3A_173 : i32 to vector<16xi32>
        %mul3A_175 = arith.muli %add3A_112, %mul3A_174 : vector<16xi32>
        %add3A_176 = arith.addi %mul3A_175, %and3A_171 : vector<16xi32>
        tpu.vector_store_idx %arg8[%add3A_176], %gather3A_172 : memref<4096xf32, #tpu.memory_space<vmem>>[vector<16xi32>], vector<16xf32>,
        %add3A_177 = arith.constant 6 : i32
        %add3A_178 = vector.broadcast %add3A_177 : i32 to vector<16xi32>
        %add3A_179 = arith.addi %add3A_178, %iota3A : vector<16xi32>
        %and3A_180 = arith.constant 15 : i32
        %and3A_181 = vector.broadcast %and3A_180 : i32 to vector<16xi32>
        %and3A_182 = arith.andi %add3A_179, %and3A_181 : vector<16xi32>
        %gather3A_183 = tpu.vector_load_idx %arg6[%and3A_182, %add3A_112] : memref<16x256xf32, #tpu.memory_space<vmem>>[vector<16xi32>, vector<16xi32>], vector<16xf32>,
        %mul3A_184 = arith.constant 16 : i32
        %mul3A_185 = vector.broadcast %mul3A_184 : i32 to vector<16xi32>
        %mul3A_186 = arith.muli %add3A_112, %mul3A_185 : vector<16xi32>
        %add3A_187 = arith.addi %mul3A_186, %and3A_182 : vector<16xi32>
        tpu.vector_store_idx %arg8[%add3A_187], %gather3A_183 : memref<4096xf32, #tpu.memory_space<vmem>>[vector<16xi32>], vector<16xf32>,
        %add3A_188 = arith.constant 7 : i32
        %add3A_189 = vector.broadcast %add3A_188 : i32 to vector<16xi32>
        %add3A_190 = arith.addi %add3A_189, %iota3A : vector<16xi32>
        %and3A_191 = arith.constant 15 : i32
        %and3A_192 = vector.broadcast %and3A_191 : i32 to vector<16xi32>
        %and3A_193 = arith.andi %add3A_190, %and3A_192 : vector<16xi32>
        %gather3A_194 = tpu.vector_load_idx %arg6[%and3A_193, %add3A_112] : memref<16x256xf32, #tpu.memory_space<vmem>>[vector<16xi32>, vector<16xi32>], vector<16xf32>,
        %mul3A_195 = arith.constant 16 : i32
        %mul3A_196 = vector.broadcast %mul3A_195 : i32 to vector<16xi32>
        %mul3A_197 = arith.muli %add3A_112, %mul3A_196 : vector<16xi32>
        %add3A_198 = arith.addi %mul3A_197, %and3A_193 : vector<16xi32>
        tpu.vector_store_idx %arg8[%add3A_198], %gather3A_194 : memref<4096xf32, #tpu.memory_space<vmem>>[vector<16xi32>], vector<16xf32>,
        %add3A_199 = arith.constant 8 : i32
        %add3A_200 = vector.broadcast %add3A_199 : i32 to vector<16xi32>
        %add3A_201 = arith.addi %add3A_200, %iota3A : vector<16xi32>
        %and3A_202 = arith.constant 15 : i32
        %and3A_203 = vector.broadcast %and3A_202 : i32 to vector<16xi32>
        %and3A_204 = arith.andi %add3A_201, %and3A_203 : vector<16xi32>
        %gather3A_205 = tpu.vector_load_idx %arg6[%and3A_204, %add3A_112] : memref<16x256xf32, #tpu.memory_space<vmem>>[vector<16xi32>, vector<16xi32>], vector<16xf32>,
        %mul3A_206 = arith.constant 16 : i32
        %mul3A_207 = vector.broadcast %mul3A_206 : i32 to vector<16xi32>
        %mul3A_208 = arith.muli %add3A_112, %mul3A_207 : vector<16xi32>
        %add3A_209 = arith.addi %mul3A_208, %and3A_204 : vector<16xi32>
        tpu.vector_store_idx %arg8[%add3A_209], %gather3A_205 : memref<4096xf32, #tpu.memory_space<vmem>>[vector<16xi32>], vector<16xf32>,
        %add3A_210 = arith.constant 9 : i32
        %add3A_211 = vector.broadcast %add3A_210 : i32 to vector<16xi32>
        %add3A_212 = arith.addi %add3A_211, %iota3A : vector<16xi32>
        %and3A_213 = arith.constant 15 : i32
        %and3A_214 = vector.broadcast %and3A_213 : i32 to vector<16xi32>
        %and3A_215 = arith.andi %add3A_212, %and3A_214 : vector<16xi32>
        %gather3A_216 = tpu.vector_load_idx %arg6[%and3A_215, %add3A_112] : memref<16x256xf32, #tpu.memory_space<vmem>>[vector<16xi32>, vector<16xi32>], vector<16xf32>,
        %mul3A_217 = arith.constant 16 : i32
        %mul3A_218 = vector.broadcast %mul3A_217 : i32 to vector<16xi32>
        %mul3A_219 = arith.muli %add3A_112, %mul3A_218 : vector<16xi32>
        %add3A_220 = arith.addi %mul3A_219, %and3A_215 : vector<16xi32>
        tpu.vector_store_idx %arg8[%add3A_220], %gather3A_216 : memref<4096xf32, #tpu.memory_space<vmem>>[vector<16xi32>], vector<16xf32>,
        %add3A_221 = arith.constant 10 : i32
        %add3A_222 = vector.broadcast %add3A_221 : i32 to vector<16xi32>
        %add3A_223 = arith.addi %add3A_222, %iota3A : vector<16xi32>
        %and3A_224 = arith.constant 15 : i32
        %and3A_225 = vector.broadcast %and3A_224 : i32 to vector<16xi32>
        %and3A_226 = arith.andi %add3A_223, %and3A_225 : vector<16xi32>
        %gather3A_227 = tpu.vector_load_idx %arg6[%and3A_226, %add3A_112] : memref<16x256xf32, #tpu.memory_space<vmem>>[vector<16xi32>, vector<16xi32>], vector<16xf32>,
        %mul3A_228 = arith.constant 16 : i32
        %mul3A_229 = vector.broadcast %mul3A_228 : i32 to vector<16xi32>
        %mul3A_230 = arith.muli %add3A_112, %mul3A_229 : vector<16xi32>
        %add3A_231 = arith.addi %mul3A_230, %and3A_226 : vector<16xi32>
        tpu.vector_store_idx %arg8[%add3A_231], %gather3A_227 : memref<4096xf32, #tpu.memory_space<vmem>>[vector<16xi32>], vector<16xf32>,
        %add3A_232 = arith.constant 11 : i32
        %add3A_233 = vector.broadcast %add3A_232 : i32 to vector<16xi32>
        %add3A_234 = arith.addi %add3A_233, %iota3A : vector<16xi32>
        %and3A_235 = arith.constant 15 : i32
        %and3A_236 = vector.broadcast %and3A_235 : i32 to vector<16xi32>
        %and3A_237 = arith.andi %add3A_234, %and3A_236 : vector<16xi32>
        %gather3A_238 = tpu.vector_load_idx %arg6[%and3A_237, %add3A_112] : memref<16x256xf32, #tpu.memory_space<vmem>>[vector<16xi32>, vector<16xi32>], vector<16xf32>,
        %mul3A_239 = arith.constant 16 : i32
        %mul3A_240 = vector.broadcast %mul3A_239 : i32 to vector<16xi32>
        %mul3A_241 = arith.muli %add3A_112, %mul3A_240 : vector<16xi32>
        %add3A_242 = arith.addi %mul3A_241, %and3A_237 : vector<16xi32>
        tpu.vector_store_idx %arg8[%add3A_242], %gather3A_238 : memref<4096xf32, #tpu.memory_space<vmem>>[vector<16xi32>], vector<16xf32>,
        %add3A_243 = arith.constant 12 : i32
        %add3A_244 = vector.broadcast %add3A_243 : i32 to vector<16xi32>
        %add3A_245 = arith.addi %add3A_244, %iota3A : vector<16xi32>
        %and3A_246 = arith.constant 15 : i32
        %and3A_247 = vector.broadcast %and3A_246 : i32 to vector<16xi32>
        %and3A_248 = arith.andi %add3A_245, %and3A_247 : vector<16xi32>
        %gather3A_249 = tpu.vector_load_idx %arg6[%and3A_248, %add3A_112] : memref<16x256xf32, #tpu.memory_space<vmem>>[vector<16xi32>, vector<16xi32>], vector<16xf32>,
        %mul3A_250 = arith.constant 16 : i32
        %mul3A_251 = vector.broadcast %mul3A_250 : i32 to vector<16xi32>
        %mul3A_252 = arith.muli %add3A_112, %mul3A_251 : vector<16xi32>
        %add3A_253 = arith.addi %mul3A_252, %and3A_248 : vector<16xi32>
        tpu.vector_store_idx %arg8[%add3A_253], %gather3A_249 : memref<4096xf32, #tpu.memory_space<vmem>>[vector<16xi32>], vector<16xf32>,
        %add3A_254 = arith.constant 13 : i32
        %add3A_255 = vector.broadcast %add3A_254 : i32 to vector<16xi32>
        %add3A_256 = arith.addi %add3A_255, %iota3A : vector<16xi32>
        %and3A_257 = arith.constant 15 : i32
        %and3A_258 = vector.broadcast %and3A_257 : i32 to vector<16xi32>
        %and3A_259 = arith.andi %add3A_256, %and3A_258 : vector<16xi32>
        %gather3A_260 = tpu.vector_load_idx %arg6[%and3A_259, %add3A_112] : memref<16x256xf32, #tpu.memory_space<vmem>>[vector<16xi32>, vector<16xi32>], vector<16xf32>,
        %mul3A_261 = arith.constant 16 : i32
        %mul3A_262 = vector.broadcast %mul3A_261 : i32 to vector<16xi32>
        %mul3A_263 = arith.muli %add3A_112, %mul3A_262 : vector<16xi32>
        %add3A_264 = arith.addi %mul3A_263, %and3A_259 : vector<16xi32>
        tpu.vector_store_idx %arg8[%add3A_264], %gather3A_260 : memref<4096xf32, #tpu.memory_space<vmem>>[vector<16xi32>], vector<16xf32>,
        %add3A_265 = arith.constant 14 : i32
        %add3A_266 = vector.broadcast %add3A_265 : i32 to vector<16xi32>
        %add3A_267 = arith.addi %add3A_266, %iota3A : vector<16xi32>
        %and3A_268 = arith.constant 15 : i32
        %and3A_269 = vector.broadcast %and3A_268 : i32 to vector<16xi32>
        %and3A_270 = arith.andi %add3A_267, %and3A_269 : vector<16xi32>
        %gather3A_271 = tpu.vector_load_idx %arg6[%and3A_270, %add3A_112] : memref<16x256xf32, #tpu.memory_space<vmem>>[vector<16xi32>, vector<16xi32>], vector<16xf32>,
        %mul3A_272 = arith.constant 16 : i32
        %mul3A_273 = vector.broadcast %mul3A_272 : i32 to vector<16xi32>
        %mul3A_274 = arith.muli %add3A_112, %mul3A_273 : vector<16xi32>
        %add3A_275 = arith.addi %mul3A_274, %and3A_270 : vector<16xi32>
        tpu.vector_store_idx %arg8[%add3A_275], %gather3A_271 : memref<4096xf32, #tpu.memory_space<vmem>>[vector<16xi32>], vector<16xf32>,
        %add3A_276 = arith.constant 15 : i32
        %add3A_277 = vector.broadcast %add3A_276 : i32 to vector<16xi32>
        %add3A_278 = arith.addi %add3A_277, %iota3A : vector<16xi32>
        %and3A_279 = arith.constant 15 : i32
        %and3A_280 = vector.broadcast %and3A_279 : i32 to vector<16xi32>
        %and3A_281 = arith.andi %add3A_278, %and3A_280 : vector<16xi32>
        %gather3A_282 = tpu.vector_load_idx %arg6[%and3A_281, %add3A_112] : memref<16x256xf32, #tpu.memory_space<vmem>>[vector<16xi32>, vector<16xi32>], vector<16xf32>,
        %mul3A_283 = arith.constant 16 : i32
        %mul3A_284 = vector.broadcast %mul3A_283 : i32 to vector<16xi32>
        %mul3A_285 = arith.muli %add3A_112, %mul3A_284 : vector<16xi32>
        %add3A_286 = arith.addi %mul3A_285, %and3A_281 : vector<16xi32>
        tpu.vector_store_idx %arg8[%add3A_286], %gather3A_282 : memref<4096xf32, #tpu.memory_space<vmem>>[vector<16xi32>], vector<16xf32>,
      }
      %scan3A_98 = arith.constant 16 : i32
      %mul3A_99 = arith.constant 4096 : i32
      %mul3A_100 = arith.muli %select_n3A_58, %mul3A_99 : i32
      %dma_start3A_101 = tpu.memref_slice %arg4[%mul3A_100] : memref<41600000xf32, #tpu.memory_space<hbm>> -> memref<4096xf32, #tpu.memory_space<hbm>>
      %dma_start3A_102 = tpu.memref_slice %arg4[%mul3A_100] : memref<41600000xf32, #tpu.memory_space<hbm>> -> memref<4096xf32, #tpu.memory_space<hbm>>
      tpu.enqueue_dma source(%arg8 : memref<4096xf32, #tpu.memory_space<vmem>>) target(%dma_start3A_102 : memref<4096xf32, #tpu.memory_space<hbm>>) target_semaphore(%arg12 : memref<!tpu.dma_semaphore, #tpu.memory_space<semaphore_mem>>)
      %lt3A_103 = arith.constant 158 : i32
      %lt3A_104 = arith.cmpi slt, %scan3A_36, %lt3A_103 : i32
      %convert_element_type3A_105 = arith.extui %lt3A_104 : i1 to i32
      %cond3A_106 = arith.constant 0 : i32
      %cond3A_107 = arith.cmpi ne, %convert_element_type3A_105, %cond3A_106 : i32
      scf.if %cond3A_107 {
        %mul3A_108 = arith.constant 2 : i32
        %mul3A_109 = arith.muli %mul3A_108, %scan3A_36 : i32
        %add3A_110 = arith.constant 3 : i32
        %add3A_111 = arith.addi %mul3A_109, %add3A_110 : i32
        %mul3A_112 = arith.constant 32 : i32
        %mul3A_113 = arith.muli %add3A_111, %mul3A_112 : i32
        %add3A_114 = arith.addi %add3A, %mul3A_113 : i32
        %lt3A_115 = arith.constant 10156 : i32
        %lt3A_116 = arith.cmpi slt, %add3A_114, %lt3A_115 : i32
        %sub3A_117 = arith.constant 10156 : i32
        %sub3A_118 = arith.subi %add3A_114, %sub3A_117 : i32
        %select_n3A_119 = arith.select %lt3A_116, %add3A_114, %sub3A_118 : i32
        %mul3A_120 = arith.constant 256 : i32
        %mul3A_121 = arith.muli %select_n3A_119, %mul3A_120 : i32
        %dma_start3A_122 = arith.constant 0 : i32
        %dma_start3A_123 = tpu.memref_slice %arg2[%dma_start3A_122, %mul3A_121] : memref<16x2600000xf32, #tpu.memory_space<hbm>> -> memref<16x256xf32, #tpu.memory_space<hbm>>
        %dma_start3A_124 = arith.constant 0 : i32
        %dma_start3A_125 = tpu.memref_slice %arg2[%dma_start3A_124, %mul3A_121] : memref<16x2600000xf32, #tpu.memory_space<hbm>> -> memref<16x256xf32, #tpu.memory_space<hbm>>
        tpu.enqueue_dma source(%dma_start3A_125 : memref<16x256xf32, #tpu.memory_space<hbm>>) target(%arg6 : memref<16x256xf32, #tpu.memory_space<vmem>>) target_semaphore(%arg10 : memref<!tpu.dma_semaphore, #tpu.memory_space<semaphore_mem>>)
      } else {
      }
    }
    %scan3A_26 = arith.constant 159 : i32
    %dma_wait3A = arith.constant 0 : i32
    %dma_wait3A_27 = tpu.memref_slice %arg4[%dma_wait3A] : memref<41600000xf32, #tpu.memory_space<hbm>> -> memref<4096xf32, #tpu.memory_space<hbm>>
    %dma_wait3A_28 = arith.constant 0 : i32
    %dma_wait3A_29 = tpu.memref_slice %arg4[%dma_wait3A_28] : memref<41600000xf32, #tpu.memory_space<hbm>> -> memref<4096xf32, #tpu.memory_space<hbm>>
    tpu.wait_dma2 semaphore(%arg11 : memref<!tpu.dma_semaphore, #tpu.memory_space<semaphore_mem>>) src(%arg7 : memref<4096xf32, #tpu.memory_space<vmem>>) dst(%dma_wait3A_29 : memref<4096xf32, #tpu.memory_space<hbm>>)
    %dma_wait3A_30 = arith.constant 0 : i32
    %dma_wait3A_31 = tpu.memref_slice %arg4[%dma_wait3A_30] : memref<41600000xf32, #tpu.memory_space<hbm>> -> memref<4096xf32, #tpu.memory_space<hbm>>
    %dma_wait3A_32 = arith.constant 0 : i32
    %dma_wait3A_33 = tpu.memref_slice %arg4[%dma_wait3A_32] : memref<41600000xf32, #tpu.memory_space<hbm>> -> memref<4096xf32, #tpu.memory_space<hbm>>
    tpu.wait_dma2 semaphore(%arg12 : memref<!tpu.dma_semaphore, #tpu.memory_space<semaphore_mem>>) src(%arg8 : memref<4096xf32, #tpu.memory_space<vmem>>) dst(%dma_wait3A_33 : memref<4096xf32, #tpu.memory_space<hbm>>)
    %eq3A = arith.constant 31 : i32
    %eq3A_34 = arith.cmpi eq, %add3A, %eq3A : i32
    %convert_element_type3A = arith.extui %eq3A_34 : i1 to i32
    %cond3A = arith.constant 0 : i32
    %cond3A_35 = arith.cmpi ne, %convert_element_type3A, %cond3A : i32
    scf.if %cond3A_35 {
      "tpu.region"() ({
        %run_scoped3A = tpu.sem_alloc : memref<!tpu.dma_semaphore, #tpu.memory_space<semaphore_mem>>
        %dma_start3A_36 = arith.constant 0 : i32
        %dma_start3A_37 = tpu.memref_slice %arg7[%dma_start3A_36] : memref<4096xf32, #tpu.memory_space<vmem>> -> memref<1024xf32, #tpu.memory_space<vmem>>
        %dma_start3A_38 = arith.constant 0 : i32
        %dma_start3A_39 = tpu.memref_slice %arg7[%dma_start3A_38] : memref<4096xf32, #tpu.memory_space<vmem>> -> memref<1024xf32, #tpu.memory_space<vmem>>
        tpu.enqueue_dma source(%arg3 : memref<1024xf32, #tpu.memory_space<hbm>>) target(%dma_start3A_39 : memref<1024xf32, #tpu.memory_space<vmem>>) target_semaphore(%run_scoped3A : memref<!tpu.dma_semaphore, #tpu.memory_space<semaphore_mem>>)
        %dma_wait3A_40 = arith.constant 0 : i32
        %dma_wait3A_41 = tpu.memref_slice %arg7[%dma_wait3A_40] : memref<4096xf32, #tpu.memory_space<vmem>> -> memref<1024xf32, #tpu.memory_space<vmem>>
        %dma_wait3A_42 = arith.constant 0 : i32
        %dma_wait3A_43 = tpu.memref_slice %arg7[%dma_wait3A_42] : memref<4096xf32, #tpu.memory_space<vmem>> -> memref<1024xf32, #tpu.memory_space<vmem>>
        tpu.wait_dma2 semaphore(%run_scoped3A : memref<!tpu.dma_semaphore, #tpu.memory_space<semaphore_mem>>) src(%arg3 : memref<1024xf32, #tpu.memory_space<hbm>>) dst(%dma_wait3A_43 : memref<1024xf32, #tpu.memory_space<vmem>>)
        tpu.yield
      }) : () -> ()
      "tpu.region"() ({
        %run_scoped3A = tpu.sem_alloc : memref<!tpu.dma_semaphore, #tpu.memory_space<semaphore_mem>>
        %dma_start3A_36 = arith.constant 0 : i32
        %dma_start3A_37 = tpu.memref_slice %arg7[%dma_start3A_36] : memref<4096xf32, #tpu.memory_space<vmem>> -> memref<1024xf32, #tpu.memory_space<vmem>>
        %dma_start3A_38 = arith.constant 41598976 : i32
        %dma_start3A_39 = tpu.memref_slice %arg4[%dma_start3A_38] : memref<41600000xf32, #tpu.memory_space<hbm>> -> memref<1024xf32, #tpu.memory_space<hbm>>
        %dma_start3A_40 = arith.constant 41598976 : i32
        %dma_start3A_41 = tpu.memref_slice %arg4[%dma_start3A_40] : memref<41600000xf32, #tpu.memory_space<hbm>> -> memref<1024xf32, #tpu.memory_space<hbm>>
        %dma_start3A_42 = arith.constant 0 : i32
        %dma_start3A_43 = tpu.memref_slice %arg7[%dma_start3A_42] : memref<4096xf32, #tpu.memory_space<vmem>> -> memref<1024xf32, #tpu.memory_space<vmem>>
        tpu.enqueue_dma source(%dma_start3A_43 : memref<1024xf32, #tpu.memory_space<vmem>>) target(%dma_start3A_41 : memref<1024xf32, #tpu.memory_space<hbm>>) target_semaphore(%run_scoped3A : memref<!tpu.dma_semaphore, #tpu.memory_space<semaphore_mem>>)
        %dma_wait3A_44 = arith.constant 0 : i32
        %dma_wait3A_45 = tpu.memref_slice %arg7[%dma_wait3A_44] : memref<4096xf32, #tpu.memory_space<vmem>> -> memref<1024xf32, #tpu.memory_space<vmem>>
        %dma_wait3A_46 = arith.constant 41598976 : i32
        %dma_wait3A_47 = tpu.memref_slice %arg4[%dma_wait3A_46] : memref<41600000xf32, #tpu.memory_space<hbm>> -> memref<1024xf32, #tpu.memory_space<hbm>>
        %dma_wait3A_48 = arith.constant 41598976 : i32
        %dma_wait3A_49 = tpu.memref_slice %arg4[%dma_wait3A_48] : memref<41600000xf32, #tpu.memory_space<hbm>> -> memref<1024xf32, #tpu.memory_space<hbm>>
        %dma_wait3A_50 = arith.constant 0 : i32
        %dma_wait3A_51 = tpu.memref_slice %arg7[%dma_wait3A_50] : memref<4096xf32, #tpu.memory_space<vmem>> -> memref<1024xf32, #tpu.memory_space<vmem>>
        tpu.wait_dma2 semaphore(%run_scoped3A : memref<!tpu.dma_semaphore, #tpu.memory_space<semaphore_mem>>) src(%dma_wait3A_51 : memref<1024xf32, #tpu.memory_space<vmem>>) dst(%dma_wait3A_49 : memref<1024xf32, #tpu.memory_space<hbm>>)
        tpu.yield
      }) : () -> ()
    } else {
    }
    return
  }
}

#map = affine_map<(d0, d1) -> (0, 0)>
#map1 = affine_map<(d0, d1) -> (0, 0, 0)>
module attributes {stable_mosaic.version = 14 : i64} {
  func.func @k(%arg0: i32, %arg1: i32, %arg2: memref<26x16384xi32, #tpu.memory_space<hbm>>, %arg3: memref<2600000x16xf32, #tpu.memory_space<hbm>>, %arg4: memref<26x16x16384xf32, #tpu.memory_space<hbm>>, %arg5: memref<512xi32, #tpu.memory_space<vmem>>, %arg6: memref<512x16xf32, #tpu.memory_space<vmem>>, %arg7: memref<16x512xf32, #tpu.memory_space<vmem>>, %arg8: memref<!tpu.dma_semaphore, #tpu.memory_space<semaphore_mem>>) attributes {dimension_semantics = [#tpu.dimension_semantics<core_parallel>, #tpu.dimension_semantics<subcore_parallel>], iteration_bounds = array<i64: 2, 16>, scalar_prefetch = 0 : i64, scratch_operands = 4 : i64, tpu.core_type = #tpu.core_type<sc_vector_subcore>, window_params = [{transform_indices = #map}, {transform_indices = #map}, {transform_indices = #map1}]} {
    %mul3A = arith.constant 2 : i32
    %mul3A_0 = arith.muli %arg1, %mul3A : i32
    %add3A = arith.addi %mul3A_0, %arg0 : i32
    %mul3A_1 = arith.constant 512 : i32
    %mul3A_2 = arith.muli %add3A, %mul3A_1 : i32
    %iota3A = tpu.iota {dimensions = array<i32: 0>} : vector<16xi32>
    %scan3A = arith.constant 0 : i32
    %scan3A_3 = arith.constant 26 : i32
    %scan3A_4 = arith.addi %scan3A, %scan3A_3 : i32
    %scan3A_5 = arith.constant 1 : i32
    scf.for %scan3A_7 = %scan3A to %scan3A_4 step %scan3A_5  : i32 {
      "tpu.region"() ({
        %run_scoped3A = tpu.sem_alloc : memref<!tpu.dma_semaphore, #tpu.memory_space<semaphore_mem>>
        %dma_start3A_17 = tpu.memref_slice %arg2[%scan3A_7, %mul3A_2] : memref<26x16384xi32, #tpu.memory_space<hbm>> -> memref<1x512xi32, #tpu.memory_space<hbm>>
        %dma_start3A_18 = tpu.memref_squeeze %dma_start3A_17 : memref<1x512xi32, #tpu.memory_space<hbm>> -> memref<512xi32, #tpu.memory_space<hbm>>
        %dma_start3A_19 = tpu.memref_slice %arg2[%scan3A_7, %mul3A_2] : memref<26x16384xi32, #tpu.memory_space<hbm>> -> memref<1x512xi32, #tpu.memory_space<hbm>>
        %dma_start3A_20 = tpu.memref_squeeze %dma_start3A_19 : memref<1x512xi32, #tpu.memory_space<hbm>> -> memref<512xi32, #tpu.memory_space<hbm>>
        tpu.enqueue_dma source(%dma_start3A_20 : memref<512xi32, #tpu.memory_space<hbm>>) target(%arg5 : memref<512xi32, #tpu.memory_space<vmem>>) target_semaphore(%run_scoped3A : memref<!tpu.dma_semaphore, #tpu.memory_space<semaphore_mem>>)
        %dma_wait3A_21 = tpu.memref_slice %arg2[%scan3A_7, %mul3A_2] : memref<26x16384xi32, #tpu.memory_space<hbm>> -> memref<1x512xi32, #tpu.memory_space<hbm>>
        %dma_wait3A_22 = tpu.memref_squeeze %dma_wait3A_21 : memref<1x512xi32, #tpu.memory_space<hbm>> -> memref<512xi32, #tpu.memory_space<hbm>>
        %dma_wait3A_23 = tpu.memref_slice %arg2[%scan3A_7, %mul3A_2] : memref<26x16384xi32, #tpu.memory_space<hbm>> -> memref<1x512xi32, #tpu.memory_space<hbm>>
        %dma_wait3A_24 = tpu.memref_squeeze %dma_wait3A_23 : memref<1x512xi32, #tpu.memory_space<hbm>> -> memref<512xi32, #tpu.memory_space<hbm>>
        tpu.wait_dma2 semaphore(%run_scoped3A : memref<!tpu.dma_semaphore, #tpu.memory_space<semaphore_mem>>) src(%dma_wait3A_24 : memref<512xi32, #tpu.memory_space<hbm>>) dst(%arg5 : memref<512xi32, #tpu.memory_space<vmem>>)
        tpu.yield
      }) : () -> ()
      %dma_start3A = arith.constant 0 : i32
      %dma_start3A_8 = arith.constant 0 : i32
      %dma_start3A_9 = tpu.memref_slice %arg3[%dma_start3A, %dma_start3A_8] : memref<2600000x16xf32, #tpu.memory_space<hbm>> -> memref<2600000x16xf32, #tpu.memory_space<hbm>>
      tpu.enqueue_indirect_dma source(%dma_start3A_9 : memref<2600000x16xf32, #tpu.memory_space<hbm>>) target(%arg6 : memref<512x16xf32, #tpu.memory_space<vmem>>) offsets(%arg5 : memref<512xi32, #tpu.memory_space<vmem>>) semaphore(%arg8 : memref<!tpu.dma_semaphore, #tpu.memory_space<semaphore_mem>>)
      %dma_wait3A = arith.constant 0 : i32
      %dma_wait3A_10 = arith.constant 0 : i32
      %dma_wait3A_11 = tpu.memref_slice %arg3[%dma_wait3A, %dma_wait3A_10] : memref<2600000x16xf32, #tpu.memory_space<hbm>> -> memref<2600000x16xf32, #tpu.memory_space<hbm>>
      tpu.wait_indirect_dma semaphore(%arg8 : memref<!tpu.dma_semaphore, #tpu.memory_space<semaphore_mem>>) src(%dma_wait3A_11 : memref<2600000x16xf32, #tpu.memory_space<hbm>>) dst(%arg6 : memref<512x16xf32, #tpu.memory_space<vmem>>)
      %scan3A_12 = arith.constant 0 : i32
      %scan3A_13 = arith.constant 32 : i32
      %scan3A_14 = arith.addi %scan3A_12, %scan3A_13 : i32
      %scan3A_15 = arith.constant 1 : i32
      scf.for %scan3A_17 = %scan3A_12 to %scan3A_14 step %scan3A_15  : i32 {
        %mul3A_18 = arith.constant 16 : i32
        %mul3A_19 = arith.muli %scan3A_17, %mul3A_18 : i32
        %add3A_20 = vector.broadcast %mul3A_19 : i32 to vector<16xi32>
        %add3A_21 = arith.addi %add3A_20, %iota3A : vector<16xi32>
        %add3A_22 = arith.constant 0 : i32
        %add3A_23 = vector.broadcast %add3A_22 : i32 to vector<16xi32>
        %add3A_24 = arith.addi %add3A_23, %iota3A : vector<16xi32>
        %and3A = arith.constant 15 : i32
        %and3A_25 = vector.broadcast %and3A : i32 to vector<16xi32>
        %and3A_26 = arith.andi %add3A_24, %and3A_25 : vector<16xi32>
        %gather3A = tpu.vector_load_idx %arg6[%add3A_21, %and3A_26] : memref<512x16xf32, #tpu.memory_space<vmem>>[vector<16xi32>, vector<16xi32>], vector<16xf32>,
        tpu.vector_store_idx %arg7[%and3A_26, %add3A_21], %gather3A : memref<16x512xf32, #tpu.memory_space<vmem>>[vector<16xi32>, vector<16xi32>], vector<16xf32>,
        %add3A_27 = arith.constant 1 : i32
        %add3A_28 = vector.broadcast %add3A_27 : i32 to vector<16xi32>
        %add3A_29 = arith.addi %add3A_28, %iota3A : vector<16xi32>
        %and3A_30 = arith.constant 15 : i32
        %and3A_31 = vector.broadcast %and3A_30 : i32 to vector<16xi32>
        %and3A_32 = arith.andi %add3A_29, %and3A_31 : vector<16xi32>
        %gather3A_33 = tpu.vector_load_idx %arg6[%add3A_21, %and3A_32] : memref<512x16xf32, #tpu.memory_space<vmem>>[vector<16xi32>, vector<16xi32>], vector<16xf32>,
        tpu.vector_store_idx %arg7[%and3A_32, %add3A_21], %gather3A_33 : memref<16x512xf32, #tpu.memory_space<vmem>>[vector<16xi32>, vector<16xi32>], vector<16xf32>,
        %add3A_34 = arith.constant 2 : i32
        %add3A_35 = vector.broadcast %add3A_34 : i32 to vector<16xi32>
        %add3A_36 = arith.addi %add3A_35, %iota3A : vector<16xi32>
        %and3A_37 = arith.constant 15 : i32
        %and3A_38 = vector.broadcast %and3A_37 : i32 to vector<16xi32>
        %and3A_39 = arith.andi %add3A_36, %and3A_38 : vector<16xi32>
        %gather3A_40 = tpu.vector_load_idx %arg6[%add3A_21, %and3A_39] : memref<512x16xf32, #tpu.memory_space<vmem>>[vector<16xi32>, vector<16xi32>], vector<16xf32>,
        tpu.vector_store_idx %arg7[%and3A_39, %add3A_21], %gather3A_40 : memref<16x512xf32, #tpu.memory_space<vmem>>[vector<16xi32>, vector<16xi32>], vector<16xf32>,
        %add3A_41 = arith.constant 3 : i32
        %add3A_42 = vector.broadcast %add3A_41 : i32 to vector<16xi32>
        %add3A_43 = arith.addi %add3A_42, %iota3A : vector<16xi32>
        %and3A_44 = arith.constant 15 : i32
        %and3A_45 = vector.broadcast %and3A_44 : i32 to vector<16xi32>
        %and3A_46 = arith.andi %add3A_43, %and3A_45 : vector<16xi32>
        %gather3A_47 = tpu.vector_load_idx %arg6[%add3A_21, %and3A_46] : memref<512x16xf32, #tpu.memory_space<vmem>>[vector<16xi32>, vector<16xi32>], vector<16xf32>,
        tpu.vector_store_idx %arg7[%and3A_46, %add3A_21], %gather3A_47 : memref<16x512xf32, #tpu.memory_space<vmem>>[vector<16xi32>, vector<16xi32>], vector<16xf32>,
        %add3A_48 = arith.constant 4 : i32
        %add3A_49 = vector.broadcast %add3A_48 : i32 to vector<16xi32>
        %add3A_50 = arith.addi %add3A_49, %iota3A : vector<16xi32>
        %and3A_51 = arith.constant 15 : i32
        %and3A_52 = vector.broadcast %and3A_51 : i32 to vector<16xi32>
        %and3A_53 = arith.andi %add3A_50, %and3A_52 : vector<16xi32>
        %gather3A_54 = tpu.vector_load_idx %arg6[%add3A_21, %and3A_53] : memref<512x16xf32, #tpu.memory_space<vmem>>[vector<16xi32>, vector<16xi32>], vector<16xf32>,
        tpu.vector_store_idx %arg7[%and3A_53, %add3A_21], %gather3A_54 : memref<16x512xf32, #tpu.memory_space<vmem>>[vector<16xi32>, vector<16xi32>], vector<16xf32>,
        %add3A_55 = arith.constant 5 : i32
        %add3A_56 = vector.broadcast %add3A_55 : i32 to vector<16xi32>
        %add3A_57 = arith.addi %add3A_56, %iota3A : vector<16xi32>
        %and3A_58 = arith.constant 15 : i32
        %and3A_59 = vector.broadcast %and3A_58 : i32 to vector<16xi32>
        %and3A_60 = arith.andi %add3A_57, %and3A_59 : vector<16xi32>
        %gather3A_61 = tpu.vector_load_idx %arg6[%add3A_21, %and3A_60] : memref<512x16xf32, #tpu.memory_space<vmem>>[vector<16xi32>, vector<16xi32>], vector<16xf32>,
        tpu.vector_store_idx %arg7[%and3A_60, %add3A_21], %gather3A_61 : memref<16x512xf32, #tpu.memory_space<vmem>>[vector<16xi32>, vector<16xi32>], vector<16xf32>,
        %add3A_62 = arith.constant 6 : i32
        %add3A_63 = vector.broadcast %add3A_62 : i32 to vector<16xi32>
        %add3A_64 = arith.addi %add3A_63, %iota3A : vector<16xi32>
        %and3A_65 = arith.constant 15 : i32
        %and3A_66 = vector.broadcast %and3A_65 : i32 to vector<16xi32>
        %and3A_67 = arith.andi %add3A_64, %and3A_66 : vector<16xi32>
        %gather3A_68 = tpu.vector_load_idx %arg6[%add3A_21, %and3A_67] : memref<512x16xf32, #tpu.memory_space<vmem>>[vector<16xi32>, vector<16xi32>], vector<16xf32>,
        tpu.vector_store_idx %arg7[%and3A_67, %add3A_21], %gather3A_68 : memref<16x512xf32, #tpu.memory_space<vmem>>[vector<16xi32>, vector<16xi32>], vector<16xf32>,
        %add3A_69 = arith.constant 7 : i32
        %add3A_70 = vector.broadcast %add3A_69 : i32 to vector<16xi32>
        %add3A_71 = arith.addi %add3A_70, %iota3A : vector<16xi32>
        %and3A_72 = arith.constant 15 : i32
        %and3A_73 = vector.broadcast %and3A_72 : i32 to vector<16xi32>
        %and3A_74 = arith.andi %add3A_71, %and3A_73 : vector<16xi32>
        %gather3A_75 = tpu.vector_load_idx %arg6[%add3A_21, %and3A_74] : memref<512x16xf32, #tpu.memory_space<vmem>>[vector<16xi32>, vector<16xi32>], vector<16xf32>,
        tpu.vector_store_idx %arg7[%and3A_74, %add3A_21], %gather3A_75 : memref<16x512xf32, #tpu.memory_space<vmem>>[vector<16xi32>, vector<16xi32>], vector<16xf32>,
        %add3A_76 = arith.constant 8 : i32
        %add3A_77 = vector.broadcast %add3A_76 : i32 to vector<16xi32>
        %add3A_78 = arith.addi %add3A_77, %iota3A : vector<16xi32>
        %and3A_79 = arith.constant 15 : i32
        %and3A_80 = vector.broadcast %and3A_79 : i32 to vector<16xi32>
        %and3A_81 = arith.andi %add3A_78, %and3A_80 : vector<16xi32>
        %gather3A_82 = tpu.vector_load_idx %arg6[%add3A_21, %and3A_81] : memref<512x16xf32, #tpu.memory_space<vmem>>[vector<16xi32>, vector<16xi32>], vector<16xf32>,
        tpu.vector_store_idx %arg7[%and3A_81, %add3A_21], %gather3A_82 : memref<16x512xf32, #tpu.memory_space<vmem>>[vector<16xi32>, vector<16xi32>], vector<16xf32>,
        %add3A_83 = arith.constant 9 : i32
        %add3A_84 = vector.broadcast %add3A_83 : i32 to vector<16xi32>
        %add3A_85 = arith.addi %add3A_84, %iota3A : vector<16xi32>
        %and3A_86 = arith.constant 15 : i32
        %and3A_87 = vector.broadcast %and3A_86 : i32 to vector<16xi32>
        %and3A_88 = arith.andi %add3A_85, %and3A_87 : vector<16xi32>
        %gather3A_89 = tpu.vector_load_idx %arg6[%add3A_21, %and3A_88] : memref<512x16xf32, #tpu.memory_space<vmem>>[vector<16xi32>, vector<16xi32>], vector<16xf32>,
        tpu.vector_store_idx %arg7[%and3A_88, %add3A_21], %gather3A_89 : memref<16x512xf32, #tpu.memory_space<vmem>>[vector<16xi32>, vector<16xi32>], vector<16xf32>,
        %add3A_90 = arith.constant 10 : i32
        %add3A_91 = vector.broadcast %add3A_90 : i32 to vector<16xi32>
        %add3A_92 = arith.addi %add3A_91, %iota3A : vector<16xi32>
        %and3A_93 = arith.constant 15 : i32
        %and3A_94 = vector.broadcast %and3A_93 : i32 to vector<16xi32>
        %and3A_95 = arith.andi %add3A_92, %and3A_94 : vector<16xi32>
        %gather3A_96 = tpu.vector_load_idx %arg6[%add3A_21, %and3A_95] : memref<512x16xf32, #tpu.memory_space<vmem>>[vector<16xi32>, vector<16xi32>], vector<16xf32>,
        tpu.vector_store_idx %arg7[%and3A_95, %add3A_21], %gather3A_96 : memref<16x512xf32, #tpu.memory_space<vmem>>[vector<16xi32>, vector<16xi32>], vector<16xf32>,
        %add3A_97 = arith.constant 11 : i32
        %add3A_98 = vector.broadcast %add3A_97 : i32 to vector<16xi32>
        %add3A_99 = arith.addi %add3A_98, %iota3A : vector<16xi32>
        %and3A_100 = arith.constant 15 : i32
        %and3A_101 = vector.broadcast %and3A_100 : i32 to vector<16xi32>
        %and3A_102 = arith.andi %add3A_99, %and3A_101 : vector<16xi32>
        %gather3A_103 = tpu.vector_load_idx %arg6[%add3A_21, %and3A_102] : memref<512x16xf32, #tpu.memory_space<vmem>>[vector<16xi32>, vector<16xi32>], vector<16xf32>,
        tpu.vector_store_idx %arg7[%and3A_102, %add3A_21], %gather3A_103 : memref<16x512xf32, #tpu.memory_space<vmem>>[vector<16xi32>, vector<16xi32>], vector<16xf32>,
        %add3A_104 = arith.constant 12 : i32
        %add3A_105 = vector.broadcast %add3A_104 : i32 to vector<16xi32>
        %add3A_106 = arith.addi %add3A_105, %iota3A : vector<16xi32>
        %and3A_107 = arith.constant 15 : i32
        %and3A_108 = vector.broadcast %and3A_107 : i32 to vector<16xi32>
        %and3A_109 = arith.andi %add3A_106, %and3A_108 : vector<16xi32>
        %gather3A_110 = tpu.vector_load_idx %arg6[%add3A_21, %and3A_109] : memref<512x16xf32, #tpu.memory_space<vmem>>[vector<16xi32>, vector<16xi32>], vector<16xf32>,
        tpu.vector_store_idx %arg7[%and3A_109, %add3A_21], %gather3A_110 : memref<16x512xf32, #tpu.memory_space<vmem>>[vector<16xi32>, vector<16xi32>], vector<16xf32>,
        %add3A_111 = arith.constant 13 : i32
        %add3A_112 = vector.broadcast %add3A_111 : i32 to vector<16xi32>
        %add3A_113 = arith.addi %add3A_112, %iota3A : vector<16xi32>
        %and3A_114 = arith.constant 15 : i32
        %and3A_115 = vector.broadcast %and3A_114 : i32 to vector<16xi32>
        %and3A_116 = arith.andi %add3A_113, %and3A_115 : vector<16xi32>
        %gather3A_117 = tpu.vector_load_idx %arg6[%add3A_21, %and3A_116] : memref<512x16xf32, #tpu.memory_space<vmem>>[vector<16xi32>, vector<16xi32>], vector<16xf32>,
        tpu.vector_store_idx %arg7[%and3A_116, %add3A_21], %gather3A_117 : memref<16x512xf32, #tpu.memory_space<vmem>>[vector<16xi32>, vector<16xi32>], vector<16xf32>,
        %add3A_118 = arith.constant 14 : i32
        %add3A_119 = vector.broadcast %add3A_118 : i32 to vector<16xi32>
        %add3A_120 = arith.addi %add3A_119, %iota3A : vector<16xi32>
        %and3A_121 = arith.constant 15 : i32
        %and3A_122 = vector.broadcast %and3A_121 : i32 to vector<16xi32>
        %and3A_123 = arith.andi %add3A_120, %and3A_122 : vector<16xi32>
        %gather3A_124 = tpu.vector_load_idx %arg6[%add3A_21, %and3A_123] : memref<512x16xf32, #tpu.memory_space<vmem>>[vector<16xi32>, vector<16xi32>], vector<16xf32>,
        tpu.vector_store_idx %arg7[%and3A_123, %add3A_21], %gather3A_124 : memref<16x512xf32, #tpu.memory_space<vmem>>[vector<16xi32>, vector<16xi32>], vector<16xf32>,
        %add3A_125 = arith.constant 15 : i32
        %add3A_126 = vector.broadcast %add3A_125 : i32 to vector<16xi32>
        %add3A_127 = arith.addi %add3A_126, %iota3A : vector<16xi32>
        %and3A_128 = arith.constant 15 : i32
        %and3A_129 = vector.broadcast %and3A_128 : i32 to vector<16xi32>
        %and3A_130 = arith.andi %add3A_127, %and3A_129 : vector<16xi32>
        %gather3A_131 = tpu.vector_load_idx %arg6[%add3A_21, %and3A_130] : memref<512x16xf32, #tpu.memory_space<vmem>>[vector<16xi32>, vector<16xi32>], vector<16xf32>,
        tpu.vector_store_idx %arg7[%and3A_130, %add3A_21], %gather3A_131 : memref<16x512xf32, #tpu.memory_space<vmem>>[vector<16xi32>, vector<16xi32>], vector<16xf32>,
      }
      %scan3A_16 = arith.constant 32 : i32
      "tpu.region"() ({
        %run_scoped3A = tpu.sem_alloc : memref<!tpu.dma_semaphore, #tpu.memory_space<semaphore_mem>>
        %dma_start3A_17 = arith.constant 0 : i32
        %dma_start3A_18 = tpu.memref_slice %arg4[%scan3A_7, %dma_start3A_17, %mul3A_2] : memref<26x16x16384xf32, #tpu.memory_space<hbm>> -> memref<1x16x512xf32, #tpu.memory_space<hbm>>
        %dma_start3A_19 = tpu.memref_squeeze %dma_start3A_18 : memref<1x16x512xf32, #tpu.memory_space<hbm>> -> memref<16x512xf32, #tpu.memory_space<hbm>>
        %dma_start3A_20 = arith.constant 0 : i32
        %dma_start3A_21 = tpu.memref_slice %arg4[%scan3A_7, %dma_start3A_20, %mul3A_2] : memref<26x16x16384xf32, #tpu.memory_space<hbm>> -> memref<1x16x512xf32, #tpu.memory_space<hbm>>
        %dma_start3A_22 = tpu.memref_squeeze %dma_start3A_21 : memref<1x16x512xf32, #tpu.memory_space<hbm>> -> memref<16x512xf32, #tpu.memory_space<hbm>>
        tpu.enqueue_dma source(%arg7 : memref<16x512xf32, #tpu.memory_space<vmem>>) target(%dma_start3A_22 : memref<16x512xf32, #tpu.memory_space<hbm>>) target_semaphore(%run_scoped3A : memref<!tpu.dma_semaphore, #tpu.memory_space<semaphore_mem>>)
        %dma_wait3A_23 = arith.constant 0 : i32
        %dma_wait3A_24 = tpu.memref_slice %arg4[%scan3A_7, %dma_wait3A_23, %mul3A_2] : memref<26x16x16384xf32, #tpu.memory_space<hbm>> -> memref<1x16x512xf32, #tpu.memory_space<hbm>>
        %dma_wait3A_25 = tpu.memref_squeeze %dma_wait3A_24 : memref<1x16x512xf32, #tpu.memory_space<hbm>> -> memref<16x512xf32, #tpu.memory_space<hbm>>
        %dma_wait3A_26 = arith.constant 0 : i32
        %dma_wait3A_27 = tpu.memref_slice %arg4[%scan3A_7, %dma_wait3A_26, %mul3A_2] : memref<26x16x16384xf32, #tpu.memory_space<hbm>> -> memref<1x16x512xf32, #tpu.memory_space<hbm>>
        %dma_wait3A_28 = tpu.memref_squeeze %dma_wait3A_27 : memref<1x16x512xf32, #tpu.memory_space<hbm>> -> memref<16x512xf32, #tpu.memory_space<hbm>>
        tpu.wait_dma2 semaphore(%run_scoped3A : memref<!tpu.dma_semaphore, #tpu.memory_space<semaphore_mem>>) src(%arg7 : memref<16x512xf32, #tpu.memory_space<vmem>>) dst(%dma_wait3A_28 : memref<16x512xf32, #tpu.memory_space<hbm>>)
        tpu.yield
      }) : () -> ()
    }
    %scan3A_6 = arith.constant 26 : i32
    return
  }
}

</mosaic_0001>

<sc_bundles>
// kernel: kernel.4.cloned.1.call-start
scs
__scs_entry_jumppad:
0x0: {  	(pc) =	sbr.rel $0x88, $3  }
0x1: {  	(tag) =	ssettag $0x0;
	lr =	simm.s32 $0x1  }
0x2: {  	[smem:$0x3F9F] =	sst lr;
	_ =	strace $0xD0000000  }
0x3: {  	_ = 	snop  }
0x4: {  	_ = 	snop  }
0x5: {  	_ = 	snop  }
0x6: {  	_ = 	snop  }
0x7: {  	_ = 	snop  }
__scs_overlays_trampoline_lowered:
0x8: {  	[smem:$0x3FAE] =	sst s0  }
0x9: {  	[smem:$0x3FAF] =	sst s1  }
0xa: {  	[smem:$0x3FB0] =	sst s2  }
0xb: {  	[smem:$0x3FB1] =	sst s3  }
0xc: {  	[smem:$0x3FB2] =	sst s4  }
0xd: {  	[smem:$0x3FB3] =	sst s5  }
0xe: {  	[smem:$0x3FB4] =	sst s6  }
0xf: {  	[smem:$0x3FB5] =	sst s7  }
0x10: {  	[smem:$0x3FB6] =	sst s8  }
0x11: {  	[smem:$0x3FB7] =	sst s9;
	s0 =	simm.s32 @!p0 $0x0  }
0x12: {  	s1 =	sld [smem:$0x3F9D];
	s0 =	simm.s32 @p0 $0x1  }
0x13: {  	[smem:$0x3FB8] =	sst s0;
	s0 =	simm.s32 @!p1 $0x0  }
0x14: {  	s2 =	sld [smem:$0x3F9C];
	s0 =	simm.s32 @p1 $0x1  }
0x15: {  	[smem:$0x3FB9] =	sst s0;
	s0 =	simm.s32 @!p2 $0x0  }
0x16: {  	s3 =	sld [smem:$0x3FDB];
	s0 =	simm.s32 @p2 $0x1  }
0x17: {  	s4 =	simm.s32 $0x1BF5;
	[smem:$0x3FBB] =	sst s0  }
0x18: {  	s0 =	sld [smem:$0x3F9E];
	_ =	swait.ge [sflag:s4], $0x0  }
0x19: {  	s7 =	sld [smem:$0x3F9F]  }
0x1a: {  	s8 =	sadd.s32 $0xFFFFE003, lr  }
0x1b: {  	s9 =	sadd.s32 $0xFFFFFEF7, lr;
	s5 =	simm.s32 $0xFFFFFFFF;
	p2 =	slt.u32 s8, $0xFFFFF086  }
0x1c: {  	p1 =	slt.u32 s9, $0xF7A;
	s5 =	simm.s32 @!p2 $0x0  }
0x1d: {  	s5 =	simm.s32 @p1 $0x1;
	p0 =	seq.s32 s7, s2  }
0x1e: {  	s7 =	smul.u32 @!p0 $0xF7A, s2;
	p2 =	seq.s32 @!p0 s5, $0x0  }
0x1f: {  	s9 =	smul.u32 $0xF7A, s1;
	s8 =	simm.s32 @!p0 $0x1BF5;
	p2 =	por !p2, p0  }
0x20: {  	[sflag:s8] =	ssyncset.s32 @!p0 $0xFFFFF086;
	s6 =	sadd.s32 @!p0 s3, s7;
	s7 =	simm.s32 @!p0 $0x108  }
0x21: {  	s3 =	sadd.s32 s3, s9;
	s6 =	sadd.s32 @!p0 $0x88, s6;
	s7 =	simm.s32 @p2 $0x1082  }
0x22: {  	[simem:s7], [sflag:s8] =	dma.local @!p0 [hbm:s6], $0xF7A  }
0x23: {  	s9 =	sor.u32 $0xD0000000, s2;
	s6 =	simm.s32 $0x108;
	_ =	swait.ge @!p0 [sflag:s8], $0x0  }
0x24: {  	s3 =	sadd.s32 $0x88, s3;
	s6 =	simm.s32 @!p1 $0x1082;
	[sflag:s4] =	ssyncset.s32 $0xFFFFF086  }
0x25: {  	[simem:s6], [sflag:s4] =	dma.local [hbm:s3], $0xF7A  }
0x26: {  	[smem:$0x3F9F] =	sst s1;
	(tag) =	ssettag s2;
	_ =	strace s9  }
0x27: {  	s1 =	sld [smem:$0x3FAF]  }
0x28: {  	s2 =	sld [smem:$0x3FB0]  }
0x29: {  	s4 =	sld [smem:$0x3FB2]  }
0x2a: {  	p0 =	seq.s32 s5, $0x0;
	s5 =	sld [smem:$0x3FB3]  }
0x2b: {  	s6 =	sld [smem:$0x3FB4]  }
0x2c: {  	s7 =	sld [smem:$0x3FB5]  }
0x2d: {  	s3 =	simm.s32 $0x108;
	s8 =	sld [smem:$0x3FB6]  }
0x2e: {  	s3 =	simm.s32 @!p0 $0x1082;
	s9 =	sld [smem:$0x3FB7]  }
0x2f: {  	lr =	sadd.s32 s0, s3;
	s0 =	sld [smem:$0x3FAE]  }
0x30: {  	s3 =	sld [smem:$0x3FB1]  }
0x31: {  	[smem:$0x3FBA] =	sst s10  }
0x32: {  	s10 =	sld [smem:$0x3FB8];
	_ =	sdelay $0x3  }
0x33: {  	p0 =	seq.s32 s10, $0x1;
	s10 =	sld [smem:$0x3FBA];
	_ =	sdelay $0x3  }
0x34: {  	[smem:$0x3FBA] =	sst s10  }
0x35: {  	s10 =	sld [smem:$0x3FB9];
	_ =	sdelay $0x3  }
0x36: {  	p1 =	seq.s32 s10, $0x1;
	s10 =	sld [smem:$0x3FBA];
	_ =	sdelay $0x3  }
0x37: {  	[smem:$0x3FBA] =	sst s10  }
0x38: {  	s10 =	sld [smem:$0x3FBB]  }
0x39: {  	_ = 	snop;
	(pc) =	sbr.ind lr, $3  }
0x3a: {  	_ = 	snop  }
0x3b: {  	_ = 	snop  }
0x3c: {  	p2 =	seq.s32 s10, $0x1;
	s10 =	sld [smem:$0x3FBA]  }
0x3d: {  	_ =	shalt  }
0x3e: {  	_ =	shalt  }
0x3f: {  	_ =	shalt  }
0x40: {  	_ =	shalt  }
0x41: {  	_ =	shalt  }
0x42: {  	_ =	shalt  }
0x43: {  	_ =	shalt  }
0x44: {  	_ =	shalt  }
0x45: {  	_ =	shalt  }
0x46: {  	_ =	shalt  }
0x47: {  	_ =	shalt  }
0x48: {  	_ =	shalt  }
0x49: {  	_ =	shalt  }
0x4a: {  	_ =	shalt  }
0x4b: {  	_ =	shalt  }
0x4c: {  	_ =	shalt  }
0x4d: {  	_ =	shalt  }
0x4e: {  	_ =	shalt  }
0x4f: {  	_ =	shalt  }
0x50: {  	_ =	shalt  }
0x51: {  	_ =	shalt  }
0x52: {  	_ =	shalt  }
0x53: {  	_ =	shalt  }
0x54: {  	_ =	shalt  }
0x55: {  	_ =	shalt  }
0x56: {  	_ =	shalt  }
0x57: {  	_ =	shalt  }
0x58: {  	_ =	shalt  }
0x59: {  	_ =	shalt  }
0x5a: {  	_ =	shalt  }
0x5b: {  	_ =	shalt  }
0x5c: {  	_ =	shalt  }
0x5d: {  	_ =	shalt  }
0x5e: {  	_ =	shalt  }
0x5f: {  	_ =	shalt  }
0x60: {  	_ =	shalt  }
0x61: {  	_ =	shalt  }
0x62: {  	_ =	shalt  }
0x63: {  	_ =	shalt  }
0x64: {  	_ =	shalt  }
0x65: {  	_ =	shalt  }
0x66: {  	_ =	shalt  }
0x67: {  	_ =	shalt  }
0x68: {  	_ =	shalt  }
0x69: {  	_ =	shalt  }
0x6a: {  	_ =	shalt  }
0x6b: {  	_ =	shalt  }
0x6c: {  	_ =	shalt  }
0x6d: {  	_ =	shalt  }
0x6e: {  	_ =	shalt  }
0x6f: {  	_ =	shalt  }
0x70: {  	_ =	shalt  }
0x71: {  	_ =	shalt  }
0x72: {  	_ =	shalt  }
0x73: {  	_ =	shalt  }
0x74: {  	_ =	shalt  }
0x75: {  	_ =	shalt  }
0x76: {  	_ =	shalt  }
0x77: {  	_ =	shalt  }
0x78: {  	_ =	shalt  }
0x79: {  	_ =	shalt  }
0x7a: {  	_ =	shalt  }
0x7b: {  	_ =	shalt  }
0x7c: {  	_ =	shalt  }
0x7d: {  	_ =	shalt  }
0x7e: {  	_ =	shalt  }
0x7f: {  	_ =	shalt  }
0x80: {  	_ =	shalt  }
0x81: {  	_ =	shalt  }
0x82: {  	_ =	shalt  }
0x83: {  	_ =	shalt  }
0x84: {  	_ =	shalt  }
0x85: {  	_ =	shalt  }
0x86: {  	_ =	shalt  }
0x87: {  	_ =	shalt  }
.Lfunc_end0:
.L_simem_size_0:
called_computation_lowered:
.L_overlay_start_0:
0x88: {  	s2 =	sld [smem:$0x3FD9]  }
0x89: {  	s3 =	sld [smem:$0x3FFE];
	_ =	sdelay $0x1  }
0x8a: {  	s1 =	srdreg.scid  }
0x8b: {  	s0 =	sand.u32 $0x1, s1  }
0x8c: {  	s17 =	sshll.u32 s0, $0xA;
	s2 =	sadd.s32 s3, s2  }
0x8d: {  	s2 =	sadd.s32 s2, s17  }
0x8e: {  	[smem:$0x3FC6] =	sst s2  }
0x8f: {  	_ = 	snop  }
0x90: {  	s2 =	sld [smem:$0x3FC8];
	(tm) =	ssettm $0x1  }
0x91: {  	s18 =	sld [smem:$0x3FFB];
	_ =	sdelay $0x3  }
0x92: {  	_ =	strace s18  }
0x93: {  	s3 =	sld [smem:$0x3FFC];
	_ =	sdelay $0x3  }
0x94: {  	_ =	strace s3  }
0x95: {  	s3 =	sld [smem:$0x3FFD];
	_ =	sdelay $0x3  }
0x96: {  	_ =	strace s3  }
0x97: {  	_ =	strace $0x8FFFFFFF  }
0x98: {  	s19 =	sld [smem:$0x3FDB];
	_ =	sdelay $0x1  }
0x99: {  	s4 =	simm.s32 $_scs_section_size  }
0x9a: {  	s5 =	simm.s32 $_size__tile_overlayer_lowered;
	s6 =	simm.s32 $_tile_overlayer_lowered  }
0x9b: {  	s22 =	simm.s32 $0x1BFF;
	s21 =	sshll.u32 s6, $0x1;
	s3 =	sadd.s32 s4, s19  }
0x9c: {  	s7 =	simm.s32 $0x0;
	s20 =	sshll.u32 s5, $0x1;
	s5 =	sadd.s32 s21, s3  }
0x9d: {  	[timem:s7], [sflag:s22] =	dma.local [hbm:s5], s20  }
0x9e: {  	_ =	swait.ge [sflag:s22], s20  }
0x9f: {  	s4 =	ssub.s32 $0x0, s20;
	[sflag:s22] =	ssyncset.done $0x0  }
0xa0: {  	[sflag:s22] =	ssyncadd.s32 s4;
	_ =	sdelay $0x1  }
0xa1: {  	s23 =	simm.s32 $0x1B8B  }
0xa2: {  	_ =	swait.ge [sflag:s23], $0x1  }
0xa3: {  	[sflag:s23] =	ssyncset.done $0x0  }
0xa4: {  	s25 =	simm.s32 $0x1B8E;
	s24 =	sld [smem:$0x3FFE];
	[sflag:s23] =	ssyncadd.s32 $0xFFFFFFFF  }
0xa5: {  	s26 =	simm.s32 $execute0_lowered;
	[smem:$0x3FD2] =	sst s25  }
0xa6: {  	s5 =	sshll.u32 s26, $0x1;
	_ =	strace $0x80000046;
	[dreg:$0x1] =	wrdreg $0xFFFFFFFF  }
0xa7: {  	s28 =	simm.s32 $_size_execute0_lowered;
	s3 =	sadd.s32 s3, s5;
	[dreg:$0x0] =	wrdreg $0x0  }
0xa8: {  	s5 =	sshll.u32 s28, $0x1;
	[dreg:$0x2] =	wrdreg s3  }
0xa9: {  	[dreg:$0x3] =	wrdreg s5  }
0xaa: {  	[dreg:$0x4] =	wrdreg $0xC0  }
0xab: {  	_ =	task [dreg:s7], $0x5FFFF  }
0xac: {  	[dreg:$0x1] =	wrdreg $0xFFFFFFFF  }
0xad: {  	[dreg:$0x0] =	wrdreg $0x60  }
0xae: {  	[dreg:$0x2] =	wrdreg s2  }
0xaf: {  	[dreg:$0x3] =	wrdreg s24  }
0xb0: {  	[dreg:$0x4] =	wrdreg $0x9  }
0xb1: {  	_ =	task.clear_ibuf [dreg:s7], $0x5FFFF;
	_ =	strace $0x90000046  }
0xb2: {  	s29 =	simm.s32 $0x9;
	_ =	strace $0x80000048  }
0xb3: {  	_ =	swait.ge [sflag:s29], $0x1  }
0xb4: {  	[sflag:s29] =	ssyncadd.s32 $0xFFFFFFFF  }
0xb5: {  	_ =	strace $0x90000048  }
0xb6: {  	_ =	sfence  }
0xb7: {  	s30 =	sld [smem:$0x0];
	_ =	sdelay $0x2  }
0xb8: {  	s31 =	sshll.u32 s1, $0xD;
	s1 =	sshrl.u32 s1, $0x2  }
0xb9: {  	s3 =	sand.u32 $0x4000, s31;
	s1 =	sadd.s32 s1, s30  }
0xba: {  	s0 =	sor.u32 s3, s0;
	s1 =	sshll.u32 s1, $0x11  }
0xbb: {  	s0 =	sor.u32 s1, s0  }
0xbc: {  	s0 =	sadd.s32 $0x8F2B, s0  }
0xbd: {  	[sflag:s0] =	ssyncadd.remote.s32 $0x1  }
0xbe: {  	_ =	sfence.sel $0xFFFF  }
0xbf: {  	[dreg:$0x0] =	wrdreg $0xFFFFFFFF;
	(pc) =	sbr.abs _section_cstart, $3  }
0xc0: {  	[dreg:$0x1] =	wrdreg $0xFFFFFFFF  }
0xc1: {  	_ =	task.clear_ibuf [dreg:s7], $0x2FFFF;
	_ =	strace $0x9FFFFFFF  }
0xc2: {  	(tm) =	ssettm $0x7FFFFFFF  }
0xc3: {  	_ =	shalt  }
tec
execute0_lowered:
.L_overlay_start_1:
0x0: {  	(tag) =	ssettag $0x1  }
0x1: {  	vm14 =	vcmask $0x300;
	v0 =	vimm.s32 $0xB80  }
0x2: {  	vm13 =	vcmask $0x704;
	vm12 =	vcmask $0xB08;
	vm11 =	vcmask $0xF0C  }
0x3: {  	vm10 =	vcmask $0x1310;
	vm9 =	vcmask $0x1714;
	v2 =	vimm.s32 $0x0  }
0x4: {  	vm8 =	vcmask $0x1B18;
	vm7 =	vcmask $0x1F1C;
	vm6 =	vcmask $0x2320  }
0x5: {  	vm5 =	vcmask $0x2724;
	vm3 =	vcmask $0x2B28;
	vm0 =	vcmask $0x2F2C  }
0x6: {  	v3 =	vimm.s32 $0x80;
	vm1 =	vcmask $0x3330;
	vm2 =	vcmask $0x3734  }
0x7: {  	vm4 =	vcmask $0x3B38;
	v4 =	vimm.s32 $0xFEDCBA9;
	v5 =	vimm.s32 $0x87654321  }
0x8: {  	v6 =	vimm.s32 $0x100;
	v9 =	vimm.s32 $0xA9876543;
	v11 =	vimm.s32 $0xBA987654  }
0x9: {  	v13 =	vimm.s32 $0x300;
	v15 =	vimm.s32 $0xDCBA9876;
	v25 =	vimm.s32 $0xEDCBA987  }
0xa: {  	v28 =	vimm.s32 $0x800;
	v32 =	vimm.s32 $0x76543210;
	v0 =	vsel vm14, $0x0, v0  }
0xb: {  	v2 =	vsel vm14, $0x80, v2;
	v3 =	vsel vm14, $0x100, v3;
	v4 =	vunpack.c.l.s4.s8 v4  }
0xc: {  	v5 =	vunpack.c.l.s4.s8 v5;
	v6 =	vsel vm14, $0x180, v6;
	v9 =	vunpack.c.l.s4.s8 v9  }
0xd: {  	v11 =	vunpack.c.l.s4.s8 v11;
	v13 =	vsel vm14, $0x380, v13;
	v15 =	vunpack.c.l.s4.s8 v15  }
0xe: {  	v25 =	vunpack.c.l.s4.s8 v25;
	v32 =	vunpack.c.l.s4.s8 v32;
	v0 =	vsel vm13, $0x80, v0  }
0xf: {  	v2 =	vsel vm13, $0x100, v2;
	v3 =	vsel vm13, $0x180, v3;
	v13 =	vsel vm13, $0x800, v13  }
0x10: {  	v1 =	vsel vm12, $0x100, v0;
	v0 =	vlaneseq.u32;
	v2 =	vsel vm12, $0x180, v2  }
0x11: {  	v3 =	vsel vm12, $0x200, v3;
	v17 =	vunpack.c.0.s8.s32 v4;
	v4 =	vsel vm13, $0x200, v6  }
0x12: {  	v18 =	vunpack.c.0.s8.s32 v5;
	v5 =	vimm.s32 $0x10FEDCBA;
	v6 =	vimm.s32 $0x98765432  }
0x13: {  	v22 =	vunpack.c.0.s8.s32 v9;
	v24 =	vunpack.c.0.s8.s32 v11;
	v31 =	vunpack.c.0.s8.s32 v15  }
0x14: {  	v32 =	vunpack.c.0.s8.s32 v32;
	v1 =	vsel vm11, $0x180, v1;
	v2 =	vsel vm11, $0x200, v2  }
0x15: {  	v3 =	vsel vm11, $0x280, v3;
	v4 =	vsel vm12, $0x280, v4;
	v5 =	vunpack.c.l.s4.s8 v5  }
0x16: {  	v6 =	vunpack.c.l.s4.s8 v6;
	v1 =	vsel vm10, $0x200, v1;
	v2 =	vsel vm10, $0x280, v2  }
0x17: {  	v3 =	vsel vm10, $0x300, v3;
	v4 =	vsel vm11, $0x300, v4;
	v7 =	vcombine.low v18, v17  }
0x18: {  	v56 =	vcombine.low v17, v18;
	v18 =	vimm.s32 $0x880;
	v1 =	vsel vm9, $0x280, v1  }
0x19: {  	v2 =	vsel vm9, $0x300, v2;
	v3 =	vsel vm9, $0x380, v3;
	v4 =	vsel vm10, $0x380, v4  }
0x1a: {  	v19 =	vunpack.c.0.s8.s32 v5;
	v20 =	vunpack.c.0.s8.s32 v6;
	v18 =	vsel vm14, $0x900, v18  }
0x1b: {  	v1 =	vsel vm8, $0x300, v1;
	v2 =	vsel vm8, $0x380, v2;
	v3 =	vsel vm8, $0x800, v3  }
0x1c: {  	v57 =	vsel vm13, $0x980, v18;
	v1 =	vsel vm7, $0x380, v1;
	v2 =	vsel vm7, $0x800, v2  }
0x1d: {  	v3 =	vsel vm7, $0x880, v3;
	v6 =	vcombine.low v20, v19;
	v34 =	vcombine.low v19, v20  }
0x1e: {  	v19 =	vimm.s32 $0x900;
	v20 =	vsel vm12, $0xA00, v57;
	v1 =	vsel vm6, $0x800, v1  }
0x1f: {  	v2 =	vsel vm6, $0x880, v2;
	v3 =	vsel vm6, $0x900, v3;
	v20 =	vsel vm11, $0xA80, v20  }
0x20: {  	v1 =	vsel vm5, $0x880, v1;
	v2 =	vsel vm5, $0x900, v2;
	v3 =	vsel vm5, $0x980, v3  }
0x21: {  	v20 =	vsel vm10, $0xB00, v20;
	v1 =	vsel vm3, $0x900, v1;
	v2 =	vsel vm3, $0x980, v2  }
0x22: {  	v3 =	vsel vm3, $0xA00, v3;
	v20 =	vsel vm9, $0xB80, v20;
	v1 =	vsel vm0, $0x980, v1  }
0x23: {  	v2 =	vsel vm0, $0xA00, v2;
	v3 =	vsel vm0, $0xA80, v3;
	v20 =	vsel vm8, $0x0, v20  }
0x24: {  	v1 =	vsel vm1, $0xA00, v1;
	v2 =	vsel vm1, $0xA80, v2;
	v8 =	vsel vm1, $0xB00, v3  }
0x25: {  	v3 =	vsel vm9, $0x800, v4;
	v20 =	vsel vm7, $0x80, v20;
	v1 =	vsel vm2, $0xA80, v1  }
0x26: {  	v2 =	vsel vm2, $0xB00, v2;
	v4 =	vsel vm8, $0x880, v3;
	v3 =	vand.u32 $0xF, v7  }
0x27: {  	v5 =	vsel vm2, $0xB80, v8;
	v8 =	vimm.s32 $0x180;
	v20 =	vsel vm6, $0x100, v20  }
0x28: {  	v1 =	vsel vm4, $0xB00, v1;
	v2 =	vsel vm4, $0xB80, v2;
	v4 =	vsel vm7, $0x900, v4  }
0x29: {  	v8 =	vsel vm14, $0x200, v8;
	v20 =	vsel vm5, $0x180, v20;
	v7 =	vsel vm6, $0x980, v4  }
0x2a: {  	v4 =	vsel vm4, $0x0, v5;
	v20 =	vsel vm3, $0x200, v20;
	v7 =	vsel vm5, $0xA00, v7  }
0x2b: {  	v5 =	vand.u32 $0xF, v6;
	v20 =	vsel vm0, $0x280, v20;
	v6 =	vsel vm3, $0xA80, v7  }
0x2c: {  	v7 =	vsel vm13, $0x280, v8;
	v8 =	vimm.s32 $0x210FEDCB;
	v20 =	vsel vm1, $0x300, v20  }
0x2d: {  	v6 =	vsel vm0, $0xB00, v6;
	v7 =	vsel vm12, $0x300, v7;
	v8 =	vunpack.c.l.s4.s8 v8  }
0x2e: {  	v20 =	vsel vm2, $0x380, v20;
	v7 =	vsel vm11, $0x380, v7;
	v6 =	vsel vm1, $0xB80, v6  }
0x2f: {  	v20 =	vsel vm4, $0x800, v20;
	v7 =	vsel vm10, $0x800, v7;
	v21 =	vunpack.c.0.s8.s32 v8  }
0x30: {  	v8 =	vimm.s32 $0x200;
	v6 =	vsel vm2, $0x0, v6;
	v7 =	vsel vm9, $0x880, v7  }
0x31: {  	v8 =	vsel vm14, $0x280, v8;
	v6 =	vsel vm4, $0x80, v6;
	v7 =	vsel vm8, $0x900, v7  }
0x32: {  	v8 =	vsel vm13, $0x300, v8;
	v9 =	vcombine.low v22, v21;
	v58 =	vcombine.low v21, v22  }
0x33: {  	v21 =	vimm.s32 $0x980;
	v7 =	vsel vm7, $0x980, v7;
	v8 =	vsel vm12, $0x380, v8  }
0x34: {  	v21 =	vsel vm14, $0xA00, v21;
	v7 =	vsel vm6, $0xA00, v7;
	v8 =	vsel vm11, $0x800, v8  }
0x35: {  	v21 =	vsel vm13, $0xA80, v21;
	v10 =	vsel vm5, $0xA80, v7;
	v7 =	vand.u32 $0xF, v9  }
0x36: {  	v8 =	vsel vm10, $0x880, v8;
	v21 =	vsel vm12, $0xB00, v21;
	v9 =	vsel vm3, $0xB00, v10  }
0x37: {  	v10 =	vimm.s32 $0x3210FEDC;
	v8 =	vsel vm9, $0x900, v8;
	v21 =	vsel vm11, $0xB80, v21  }
0x38: {  	v9 =	vsel vm0, $0xB80, v9;
	v10 =	vunpack.c.l.s4.s8 v10;
	v8 =	vsel vm8, $0x980, v8  }
0x39: {  	v21 =	vsel vm10, $0x0, v21;
	v9 =	vsel vm1, $0x0, v9;
	v8 =	vsel vm7, $0xA00, v8  }
0x3a: {  	v21 =	vsel vm9, $0x80, v21;
	v23 =	vunpack.c.0.s8.s32 v10;
	v8 =	vsel vm6, $0xA80, v8  }
0x3b: {  	v10 =	vimm.s32 $0x280;
	v9 =	vsel vm2, $0x80, v9;
	v21 =	vsel vm8, $0x100, v21  }
0x3c: {  	v8 =	vsel vm5, $0xB00, v8;
	v10 =	vsel vm14, $0x300, v10;
	v21 =	vsel vm7, $0x180, v21  }
0x3d: {  	v8 =	vsel vm3, $0xB80, v8;
	v10 =	vsel vm13, $0x380, v10;
	v11 =	vcombine.low v24, v23  }
0x3e: {  	v21 =	vsel vm6, $0x200, v21;
	v59 =	vcombine.low v23, v24;
	v24 =	vimm.s32 $0xA00  }
0x3f: {  	v12 =	vsel vm0, $0x0, v8;
	v10 =	vsel vm12, $0x800, v10;
	v8 =	vsel vm4, $0x100, v9  }
0x40: {  	v12 =	vsel vm1, $0x80, v12;
	v10 =	vsel vm11, $0x880, v10;
	v9 =	vand.u32 $0xF, v11  }
0x41: {  	v11 =	vsel vm2, $0x100, v12;
	v10 =	vsel vm10, $0x900, v10;
	v12 =	vimm.s32 $0x43210FED  }
0x42: {  	v23 =	vand.u32 $0xF, v58;
	v10 =	vsel vm9, $0x980, v10;
	v12 =	vunpack.c.l.s4.s8 v12  }
0x43: {  	v21 =	vsel vm5, $0x280, v21;
	v60 =	vsel vm14, $0xA80, v24;
	v14 =	vsel vm8, $0xA00, v10  }
0x44: {  	v10 =	vsel vm4, $0x180, v11;
	v11 =	vsel vm7, $0xA80, v14;
	v26 =	vunpack.c.0.s8.s32 v12  }
0x45: {  	v12 =	vsel vm12, $0x880, v13;
	v13 =	vimm.s32 $0xCBA98765;
	v14 =	vimm.s32 $0x543210FE  }
0x46: {  	v11 =	vsel vm6, $0xB00, v11;
	v12 =	vsel vm11, $0x900, v12;
	v13 =	vunpack.c.l.s4.s8 v13  }
0x47: {  	v14 =	vunpack.c.l.s4.s8 v14;
	v11 =	vsel vm5, $0xB80, v11;
	v12 =	vsel vm10, $0x980, v12  }
0x48: {  	v11 =	vsel vm3, $0x0, v11;
	v12 =	vsel vm9, $0xA00, v12;
	v29 =	vunpack.c.0.s8.s32 v13  }
0x49: {  	v30 =	vunpack.c.0.s8.s32 v14;
	v12 =	vsel vm8, $0xA80, v12;
	v11 =	vsel vm0, $0x80, v11  }
0x4a: {  	v12 =	vsel vm7, $0xB00, v12;
	v13 =	vcombine.low v29, v26;
	v11 =	vsel vm1, $0x100, v11  }
0x4b: {  	v15 =	vcombine.low v31, v30;
	v29 =	vcombine.low v26, v29;
	v26 =	vimm.s32 $0xA80  }
0x4c: {  	v30 =	vcombine.low v30, v31;
	v31 =	vimm.s32 $0xB00;
	v12 =	vsel vm6, $0xB80, v12  }
0x4d: {  	v14 =	vsel vm2, $0x180, v11;
	v26 =	vsel vm14, $0xB00, v26;
	v31 =	vsel vm14, $0xB80, v31  }
0x4e: {  	v12 =	vsel vm5, $0x0, v12;
	v11 =	vand.u32 $0xF, v13;
	v13 =	vand.u32 $0xF, v15  }
0x4f: {  	v15 =	vimm.s32 $0x380;
	v26 =	vsel vm13, $0xB80, v26;
	v31 =	vsel vm13, $0x0, v31  }
0x50: {  	v16 =	vsel vm3, $0x80, v12;
	v12 =	vsel vm4, $0x200, v14;
	v15 =	vsel vm14, $0x800, v15  }
0x51: {  	v26 =	vsel vm12, $0x0, v26;
	v31 =	vsel vm12, $0x80, v31;
	v14 =	vsel vm0, $0x100, v16  }
0x52: {  	v15 =	vsel vm13, $0x880, v15;
	v26 =	vsel vm11, $0x80, v26;
	v31 =	vsel vm11, $0x100, v31  }
0x53: {  	v14 =	vsel vm1, $0x180, v14;
	v26 =	vsel vm10, $0x100, v26;
	v31 =	vsel vm10, $0x180, v31  }
0x54: {  	v16 =	vsel vm2, $0x200, v14;
	v14 =	vimm.s32 $0x6543210F;
	v26 =	vsel vm9, $0x180, v26  }
0x55: {  	v31 =	vsel vm9, $0x200, v31;
	v14 =	vunpack.c.l.s4.s8 v14;
	v26 =	vsel vm8, $0x200, v26  }
0x56: {  	v15 =	vsel vm12, $0x900, v15;
	v31 =	vsel vm8, $0x280, v31;
	v26 =	vsel vm7, $0x280, v26  }
0x57: {  	v31 =	vsel vm7, $0x300, v31;
	v27 =	vunpack.c.0.s8.s32 v14;
	v14 =	vsel vm11, $0x980, v15  }
0x58: {  	v15 =	vsel vm14, $0x880, v28;
	v28 =	vunpack.c.0.s8.s32 v25;
	v25 =	vimm.s32 $0xFEDCBA98  }
0x59: {  	v26 =	vsel vm6, $0x300, v26;
	v31 =	vsel vm6, $0x380, v31;
	v14 =	vsel vm10, $0xA00, v14  }
0x5a: {  	v15 =	vsel vm13, $0x900, v15;
	v25 =	vunpack.c.l.s4.s8 v25;
	v26 =	vsel vm5, $0x380, v26  }
0x5b: {  	v31 =	vsel vm5, $0x800, v31;
	v14 =	vsel vm9, $0xA80, v14;
	v15 =	vsel vm12, $0x980, v15  }
0x5c: {  	v26 =	vsel vm3, $0x800, v26;
	v31 =	vsel vm3, $0x880, v31;
	v15 =	vsel vm11, $0xA00, v15  }
0x5d: {  	v63 =	vcombine.low v27, v28;
	v14 =	vsel vm8, $0xB00, v14;
	v15 =	vsel vm10, $0xA80, v15  }
0x5e: {  	v25 =	vunpack.c.0.s8.s32 v25;
	v61 =	vsel vm0, $0x880, v26;
	v15 =	vsel vm9, $0xB00, v15  }
0x5f: {  	v31 =	vsel vm0, $0x900, v31;
	v14 =	vsel vm7, $0xB80, v14;
	v15 =	vsel vm8, $0xB80, v15  }
0x60: {  	v62 =	vsel vm1, $0x900, v61;
	v14 =	vsel vm6, $0x0, v14;
	v15 =	vsel vm7, $0x0, v15  }
0x61: {  	v25 =	vand.u32 $0xF, v25;
	v14 =	vsel vm5, $0x80, v14;
	v15 =	vsel vm6, $0x80, v15  }
0x62: {  	v33 =	vsel vm3, $0x100, v14;
	v14 =	vcombine.low v25, v32;
	v54 =	vsel vm5, $0x100, v15  }
0x63: {  	v25 =	vcombine.low v28, v27;
	v53 =	vsel vm0, $0x180, v33;
	v33 =	vsel vm3, $0x180, v54  }
0x64: {  	v15 =	vsel vm4, $0x280, v16;
	v32 =	vsel vm1, $0x200, v53;
	v55 =	vsel vm0, $0x200, v33  }
0x65: {  	v16 =	vand.u32 $0xF, v25;
	v25 =	vsel vm2, $0x280, v32;
	v32 =	vsel vm1, $0x280, v55  }
0x66: {  	v31 =	vsel vm1, $0x980, v31;
	v17 =	vsel vm4, $0x300, v25;
	v25 =	vsel vm2, $0x300, v32  }
0x67: {  	v32 =	vsel vm13, $0xB00, v60;
	v18 =	vsel vm4, $0x380, v25;
	v25 =	vsel vm14, $0x980, v19  }
0x68: {  	s0 =	rddreg [dreg:$0x0];
	v31 =	vsel vm2, $0xA00, v31;
	v32 =	vsel vm12, $0xB80, v32;
	v25 =	vsel vm13, $0xA00, v25  }
0x69: {  	s11 =	rddreg [dreg:$0x1];
	v27 =	vand.u32 $0xF, v29;
	v32 =	vsel vm11, $0x0, v32;
	v25 =	vsel vm12, $0xA80, v25  }
0x6a: {  	s1 =	rddreg [dreg:$0x2];
	v29 =	vand.u32 $0xF, v30;
	v32 =	vsel vm10, $0x80, v32;
	v22 =	vsel vm11, $0xB00, v25  }
0x6b: {  	s4 =	srdreg.scid;
	s2 =	stileid.u32;
	v30 =	vsel vm4, $0xA80, v31;
	v32 =	vsel vm9, $0x100, v32;
	v22 =	vsel vm10, $0xB80, v22  }
0x6c: {  	s3 =	simm.s32 $0x0;
	s13 =	simm.s32 $0x800;
	s14 =	simm.s32 $0x13D6400;
	v31 =	vand.u32 $0xF, v63;
	v32 =	vsel vm8, $0x180, v32;
	v22 =	vsel vm9, $0x0, v22  }
0x6d: {  	s15 =	simm.s32 $0x1000;
	s16 =	simm.s32 $0x1;
	s17 =	simm.s32 $0x2000;
	v19 =	vand.u32 $0xF, v56;
	v32 =	vsel vm7, $0x200, v32;
	v22 =	vsel vm8, $0x80, v22  }
0x6e: {  	s18 =	simm.s32 $0x2;
	s19 =	simm.s32 $0x3000;
	s20 =	simm.s32 $0x3;
	v25 =	vsel vm3, $0x300, v21;
	v32 =	vsel vm6, $0x280, v32;
	v22 =	vsel vm7, $0x100, v22  }
0x6f: {  	s21 =	simm.s32 $0x4;
	s22 =	simm.s32 $0x0;
	s5 =	sand.u32 $0x1, s4;
	v21 =	vand.u32 $0xF, v34;
	v32 =	vsel vm5, $0x300, v32;
	v22 =	vsel vm6, $0x180, v22  }
0x70: {  	s31 =	sshll.u32 s2, $0x1;
	[smem:$0x7FF] =	sst s3;
	s7 =	sadd.s32 $0xC00, s11;
	v25 =	vsel vm0, $0x380, v25;
	v32 =	vsel vm3, $0x380, v32;
	v22 =	vsel vm5, $0x200, v22  }
.Ltmp0:
0x71: {  	s4 =	sor.u32 s5, s31;
	_ =	strace $0x80000047;
	v25 =	vsel vm1, $0x800, v25;
	v32 =	vsel vm0, $0x800, v32;
	v22 =	vsel vm3, $0x280, v22;
	(pc) =	sbr.rel .LBB2_1-.Ltmp0, $4  }
0x72: {  	s8 =	ssub.s32 $0x2, s5;
	s5 =	sadd.s32 $0xA00, s11;
	s11 =	sadd.s32 $0x4F6400, s11;
	v25 =	vsel vm2, $0x880, v25;
	v32 =	vsel vm1, $0x880, v32;
	v22 =	vsel vm0, $0x300, v22  }
0x73: {  	s6 =	sshll.u32 s4, $0x8;
	s9 =	sshrl.u32 s8, $0x1;
	s10 =	sor.u32 $0x60, s4;
	v24 =	vsel vm4, $0x900, v25;
	v32 =	vsel vm2, $0x900, v32;
	v22 =	vsel vm1, $0x380, v22  }
0x74: {  	p0 =	sne.s32 s4, $0x1F;
	s6 =	sadd.s32 s0, s6;
	s12 =	ssub.s32 s8, s9;
	v26 =	vsel vm4, $0x980, v32;
	v32 =	vsel vm2, $0x980, v62;
	v22 =	vsel vm2, $0x800, v22  }
0x75: {  	s9 =	sor.u32 $0x40, s4;
	s8 =	sadd.s32 $0x2000, s6;
	s12 =	smax.u32 s12, $0x1;
	v25 =	vand.u32 $0xF, v59;
	v28 =	vsel vm4, $0xA00, v32;
	v22 =	vsel vm4, $0x880, v22  }
.LBB2_8:
0x76: {  	_ =	swait.ge [sflag:s20], $0x1000  }
0x77: {  	[sflag:s20] =	ssyncset.done $0x0  }
0x78: {  	[sflag:s20] =	ssyncadd.s32 $0xFFFFF000  }
0x79: {  	_ =	swait.ge [sflag:s21], $0x1000  }
0x7a: {  	s23 =	simm.s32 @!p0 $0x0;
	[sflag:s21] =	ssyncset.done $0x0  }
0x7b: {  	s24 =	simm.s32 @!p0 $0x2000;
	s25 =	simm.s32 @!p0 $0x5;
	[sflag:s21] =	ssyncadd.s32 $0xFFFFF000  }
0x7c: {  	[tilespmem:s24], [sflag:$0x5] =	stream.linear.gather @!p0 [hbm4b:s5+s23], $0x400, $0x38;
	[tilespmem:$0x4000] =	vst v63  }
0x7d: {  	s22 =	sadd.s32 $0x1, s22;
	_ =	swait.ge @!p0 [sflag:s25], $0x400  }
0x7e: {  	p1 =	sne.s32 s22, s12;
	[sflag:s25] =	ssyncset.done @!p0 $0x0  }
.Ltmp1:
0x7f: {  	[sflag:s25] =	ssyncadd.s32 @!p0 $0xFFFFFC00;
	(pc) =	sbr.rel @!p1 .LBB2_9-.Ltmp1, $4  }
0x80: {  	[hbm4b:s11+s23] =	stream.linear.scatter @!p0 [tilespmem:s24], [sflag:$0x5], $0x400, $0x38;
	[tilespmem:$0x4000] =	vst v63  }
0x81: {  	_ =	swait.ge @!p0 [sflag:s25], $0x400  }
0x82: {  	[sflag:s25] =	ssyncset.done @!p0 $0x0  }
0x83: {  	[sflag:s25] =	ssyncadd.s32 @!p0 $0xFFFFFC00  }
.LBB2_1:
0x84: {  	[tilespmem:s3], [sflag:$0x1] =	stream.strided.gather [hbm4b:s6+s13], $0x1000, s14, s13, $0x38;
	[tilespmem:$0x4000] =	vst v63  }
0x85: {  	s23 =	simm.s32 $0x0  }
0x86: {  	[tilespmem:s15], [sflag:$0x2] =	stream.strided.gather [hbm4b:s8+s13], $0x1000, s14, s13, $0x38;
	[tilespmem:$0x4000] =	vst v63  }
.LBB2_2:
0x87: {  	s24 =	simm.s32 $0x0  }
0x88: {  	v32 =	vmov s24  }
0x89: {  	p1 =	seq.s32 s23, $0x0;
	v33 =	vor.u32 s24, v0;
	v32 =	vshll.u32 v32, $0x3  }
0x8a: {  	s24 =	simm.s32 @!p1 $0x3;
	v34 =	vand.u32 $0x7F, v33;
	v32 =	vand.u32 $0x400, v32  }
0x8b: {  	_ =	swait.ge @!p1 [sflag:s24], $0x1000;
	v36 =	vor.u32 v32, v34  }
0x8c: {  	[sflag:s24] =	ssyncset.done @!p1 $0x0;
	v34 =	vor.u32 v1, v36  }
0x8d: {  	[sflag:s24] =	ssyncadd.s32 @!p1 $0xFFFFF000  }
0x8e: {  	_ =	swait.ge [sflag:s16], $0x1000  }
0x8f: {  	[sflag:s16] =	ssyncset.done $0x0  }
0x90: {  	v32 =	vshll.u32 v33, $0x4;
	[sflag:s16] =	ssyncadd.s32 $0xFFFFF000  }
0x91: {  	v37 =	vor.u32 v0, v32;
	v63 =	vld.idx.msk [tilespmem:v34+s3+$0x0], $0xffff  }
0x92: {  	v35 =	vor.u32 v2, v36;
	_ =	sdelay $0x3  }
0x93: {  	[tilespmem:v37+s17+$0x0] =	vst.idx.msk $0xffff, v63  }
0x94: {  	v38 =	vor.u32 v3, v32;
	v33 =	vld.idx.msk [tilespmem:v35+s3+$0x0], $0xffff  }
0x95: {  	v39 =	vor.u32 v4, v36;
	_ =	sdelay $0x3  }
0x96: {  	[tilespmem:v38+s17+$0x0] =	vst.idx.msk $0xffff, v33  }
0x97: {  	v40 =	vor.u32 v5, v32;
	v33 =	vld.idx.msk [tilespmem:v39+s3+$0x0], $0xffff  }
0x98: {  	v41 =	vor.u32 v6, v36;
	_ =	sdelay $0x3  }
0x99: {  	[tilespmem:v40+s17+$0x0] =	vst.idx.msk $0xffff, v33  }
0x9a: {  	v42 =	vor.u32 v7, v32;
	v33 =	vld.idx.msk [tilespmem:v41+s3+$0x0], $0xffff  }
0x9b: {  	v43 =	vor.u32 v8, v36;
	_ =	sdelay $0x3  }
0x9c: {  	[tilespmem:v42+s17+$0x0] =	vst.idx.msk $0xffff, v33  }
0x9d: {  	v44 =	vor.u32 v9, v32;
	v33 =	vld.idx.msk [tilespmem:v43+s3+$0x0], $0xffff  }
0x9e: {  	v45 =	vor.u32 v10, v36;
	_ =	sdelay $0x3  }
0x9f: {  	[tilespmem:v44+s17+$0x0] =	vst.idx.msk $0xffff, v33  }
0xa0: {  	v46 =	vor.u32 v11, v32;
	v33 =	vld.idx.msk [tilespmem:v45+s3+$0x0], $0xffff  }
0xa1: {  	v47 =	vor.u32 v12, v36;
	_ =	sdelay $0x3  }
0xa2: {  	[tilespmem:v46+s17+$0x0] =	vst.idx.msk $0xffff, v33  }
0xa3: {  	v48 =	vor.u32 v13, v32;
	v33 =	vld.idx.msk [tilespmem:v47+s3+$0x0], $0xffff  }
0xa4: {  	v49 =	vor.u32 v15, v36;
	_ =	sdelay $0x3  }
0xa5: {  	[tilespmem:v48+s17+$0x0] =	vst.idx.msk $0xffff, v33  }
0xa6: {  	v50 =	vor.u32 v16, v32;
	v33 =	vld.idx.msk [tilespmem:v49+s3+$0x0], $0xffff  }
0xa7: {  	v51 =	vor.u32 v17, v36;
	_ =	sdelay $0x3  }
0xa8: {  	[tilespmem:v50+s17+$0x0] =	vst.idx.msk $0xffff, v33  }
0xa9: {  	v52 =	vor.u32 v14, v32;
	v33 =	vld.idx.msk [tilespmem:v51+s3+$0x0], $0xffff  }
0xaa: {  	v53 =	vor.u32 v18, v36;
	_ =	sdelay $0x3  }
0xab: {  	[tilespmem:v52+s17+$0x0] =	vst.idx.msk $0xffff, v33  }
0xac: {  	v54 =	vor.u32 v19, v32;
	v33 =	vld.idx.msk [tilespmem:v53+s3+$0x0], $0xffff  }
0xad: {  	v55 =	vor.u32 v20, v36;
	_ =	sdelay $0x3  }
0xae: {  	[tilespmem:v54+s17+$0x0] =	vst.idx.msk $0xffff, v33  }
0xaf: {  	v56 =	vor.u32 v21, v32;
	v33 =	vld.idx.msk [tilespmem:v55+s3+$0x0], $0xffff  }
0xb0: {  	v57 =	vor.u32 v22, v36;
	_ =	sdelay $0x3  }
0xb1: {  	[tilespmem:v56+s17+$0x0] =	vst.idx.msk $0xffff, v33  }
0xb2: {  	v58 =	vor.u32 v23, v32;
	v33 =	vld.idx.msk [tilespmem:v57+s3+$0x0], $0xffff  }
0xb3: {  	v59 =	vor.u32 v24, v36;
	_ =	sdelay $0x3  }
0xb4: {  	[tilespmem:v58+s17+$0x0] =	vst.idx.msk $0xffff, v33  }
0xb5: {  	v60 =	vor.u32 v25, v32;
	v33 =	vld.idx.msk [tilespmem:v59+s3+$0x0], $0xffff  }
0xb6: {  	v61 =	vor.u32 v26, v36;
	_ =	sdelay $0x3  }
0xb7: {  	[tilespmem:v60+s17+$0x0] =	vst.idx.msk $0xffff, v33  }
0xb8: {  	v62 =	vor.u32 v27, v32;
	v33 =	vld.idx.msk [tilespmem:v61+s3+$0x0], $0xffff  }
0xb9: {  	v63 =	vor.u32 v28, v36;
	_ =	sdelay $0x3  }
0xba: {  	[tilespmem:v62+s17+$0x0] =	vst.idx.msk $0xffff, v33  }
0xbb: {  	v35 =	vor.u32 v29, v32;
	v34 =	vld.idx.msk [tilespmem:v63+s3+$0x0], $0xffff  }
0xbc: {  	v33 =	vor.u32 v30, v36  }
0xbd: {  	s24 =	sshll.u32 s23, $0x6  }
0xbe: {  	s28 =	simm.s32 $0x10;
	s26 =	sor.u32 s4, s24  }
0xbf: {  	s29 =	simm.s32 $0x20;
	s25 =	sor.u32 $0x20, s26;
	v36 =	vmov s28  }
.LBB2_3:
0xc0: {  	p1 =	sne.s32 s29, $0xF0;
	v37 =	vor.u32 s28, v0;
	v36 =	vshll.u32 v36, $0x3;
	[tilespmem:v35+s17+$0x0] =	vst.idx.msk $0xffff, v34;
	s28 =	smov.u32 s29  }
0xc1: {  	v34 =	vand.u32 $0x7F, v37;
	v35 =	vand.u32 $0x400, v36;
	v36 =	vld.idx.msk [tilespmem:v33+s3+$0x0], $0xffff  }
0xc2: {  	v32 =	vor.u32 v31, v32;
	v33 =	vor.u32 v35, v34  }
0xc3: {  	v34 =	vor.u32 v1, v33;
	_ =	sdelay $0x3  }
0xc4: {  	[tilespmem:v32+s17+$0x0] =	vst.idx.msk $0xffff, v36  }
0xc5: {  	v32 =	vshll.u32 v37, $0x4;
	v34 =	vld.idx.msk [tilespmem:v34+s3+$0x0], $0xffff  }
0xc6: {  	v35 =	vor.u32 v0, v32  }
0xc7: {  	v36 =	vor.u32 v2, v33;
	_ =	sdelay $0x3  }
0xc8: {  	[tilespmem:v35+s17+$0x0] =	vst.idx.msk $0xffff, v34  }
0xc9: {  	v34 =	vld.idx.msk [tilespmem:v36+s3+$0x0], $0xffff  }
0xca: {  	v35 =	vor.u32 v3, v32  }
0xcb: {  	v36 =	vor.u32 v4, v33;
	_ =	sdelay $0x3  }
0xcc: {  	[tilespmem:v35+s17+$0x0] =	vst.idx.msk $0xffff, v34  }
0xcd: {  	v34 =	vld.idx.msk [tilespmem:v36+s3+$0x0], $0xffff  }
0xce: {  	v35 =	vor.u32 v5, v32  }
0xcf: {  	v36 =	vor.u32 v6, v33;
	_ =	sdelay $0x3  }
0xd0: {  	[tilespmem:v35+s17+$0x0] =	vst.idx.msk $0xffff, v34  }
0xd1: {  	v34 =	vld.idx.msk [tilespmem:v36+s3+$0x0], $0xffff  }
0xd2: {  	v35 =	vor.u32 v7, v32  }
0xd3: {  	v36 =	vor.u32 v8, v33;
	_ =	sdelay $0x3  }
0xd4: {  	[tilespmem:v35+s17+$0x0] =	vst.idx.msk $0xffff, v34  }
0xd5: {  	v34 =	vld.idx.msk [tilespmem:v36+s3+$0x0], $0xffff  }
0xd6: {  	v35 =	vor.u32 v9, v32  }
0xd7: {  	v36 =	vor.u32 v10, v33;
	_ =	sdelay $0x3  }
0xd8: {  	[tilespmem:v35+s17+$0x0] =	vst.idx.msk $0xffff, v34  }
0xd9: {  	v34 =	vld.idx.msk [tilespmem:v36+s3+$0x0], $0xffff  }
0xda: {  	v35 =	vor.u32 v11, v32  }
0xdb: {  	v36 =	vor.u32 v12, v33;
	_ =	sdelay $0x3  }
0xdc: {  	[tilespmem:v35+s17+$0x0] =	vst.idx.msk $0xffff, v34  }
0xdd: {  	v34 =	vld.idx.msk [tilespmem:v36+s3+$0x0], $0xffff  }
0xde: {  	v35 =	vor.u32 v13, v32  }
0xdf: {  	v36 =	vor.u32 v15, v33;
	_ =	sdelay $0x3  }
0xe0: {  	[tilespmem:v35+s17+$0x0] =	vst.idx.msk $0xffff, v34  }
0xe1: {  	v34 =	vld.idx.msk [tilespmem:v36+s3+$0x0], $0xffff  }
0xe2: {  	v35 =	vor.u32 v16, v32  }
0xe3: {  	v36 =	vor.u32 v17, v33;
	_ =	sdelay $0x3  }
0xe4: {  	[tilespmem:v35+s17+$0x0] =	vst.idx.msk $0xffff, v34  }
0xe5: {  	v34 =	vld.idx.msk [tilespmem:v36+s3+$0x0], $0xffff  }
0xe6: {  	v35 =	vor.u32 v14, v32  }
0xe7: {  	v36 =	vor.u32 v18, v33;
	_ =	sdelay $0x3  }
0xe8: {  	[tilespmem:v35+s17+$0x0] =	vst.idx.msk $0xffff, v34  }
0xe9: {  	v34 =	vld.idx.msk [tilespmem:v36+s3+$0x0], $0xffff  }
0xea: {  	v35 =	vor.u32 v19, v32  }
0xeb: {  	v36 =	vor.u32 v20, v33;
	_ =	sdelay $0x3  }
0xec: {  	[tilespmem:v35+s17+$0x0] =	vst.idx.msk $0xffff, v34  }
0xed: {  	v34 =	vld.idx.msk [tilespmem:v36+s3+$0x0], $0xffff  }
0xee: {  	v35 =	vor.u32 v21, v32  }
0xef: {  	v36 =	vor.u32 v22, v33;
	_ =	sdelay $0x3  }
0xf0: {  	[tilespmem:v35+s17+$0x0] =	vst.idx.msk $0xffff, v34  }
0xf1: {  	v34 =	vld.idx.msk [tilespmem:v36+s3+$0x0], $0xffff  }
0xf2: {  	v35 =	vor.u32 v23, v32  }
0xf3: {  	v36 =	vor.u32 v24, v33;
	_ =	sdelay $0x3  }
0xf4: {  	[tilespmem:v35+s17+$0x0] =	vst.idx.msk $0xffff, v34  }
0xf5: {  	v34 =	vld.idx.msk [tilespmem:v36+s3+$0x0], $0xffff  }
0xf6: {  	v35 =	vor.u32 v25, v32  }
0xf7: {  	v36 =	vor.u32 v26, v33;
	_ =	sdelay $0x3  }
0xf8: {  	[tilespmem:v35+s17+$0x0] =	vst.idx.msk $0xffff, v34  }
0xf9: {  	v34 =	vld.idx.msk [tilespmem:v36+s3+$0x0], $0xffff  }
0xfa: {  	v35 =	vor.u32 v27, v32  }
0xfb: {  	v36 =	vor.u32 v28, v33;
	_ =	sdelay $0x3  }
0xfc: {  	[tilespmem:v35+s17+$0x0] =	vst.idx.msk $0xffff, v34  }
0xfd: {  	v34 =	vld.idx.msk [tilespmem:v36+s3+$0x0], $0xffff  }
.Ltmp2:
0xfe: {  	v35 =	vor.u32 v29, v32;
	(pc) =	sbr.rel @p1 .LBB2_3-.Ltmp2, $2  }
0xff: {  	v33 =	vor.u32 v30, v33;
	_ =	sdelay $0x2  }
0x100: {  	s29 =	sadd.s32 $0x10, s29;
	v36 =	vmov s28  }
0x101: {  	_ =	sdelay $0x2  }
0x102: {  	v37 =	vor.u32 s28, v0;
	v36 =	vshll.u32 v36, $0x3  }
0x103: {  	[tilespmem:v35+s17+$0x0] =	vst.idx.msk $0xffff, v34;
	v52 =	vand.u32 $0x7F, v37;
	v53 =	vand.u32 $0x400, v36  }
0x104: {  	v32 =	vor.u32 v31, v32;
	v33 =	vld.idx.msk [tilespmem:v33+s3+$0x0], $0xffff;
	v34 =	vor.u32 v53, v52  }
0x105: {  	v35 =	vor.u32 v1, v34;
	_ =	sdelay $0x3  }
0x106: {  	[tilespmem:v32+s17+$0x0] =	vst.idx.msk $0xffff, v33;
	v32 =	vshll.u32 v37, $0x4  }
0x107: {  	v54 =	vor.u32 v0, v32;
	v33 =	vld.idx.msk [tilespmem:v35+s3+$0x0], $0xffff  }
0x108: {  	v55 =	vor.u32 v2, v34;
	_ =	sdelay $0x3  }
0x109: {  	[tilespmem:v54+s17+$0x0] =	vst.idx.msk $0xffff, v33  }
0x10a: {  	v56 =	vor.u32 v3, v32;
	v33 =	vld.idx.msk [tilespmem:v55+s3+$0x0], $0xffff  }
0x10b: {  	v57 =	vor.u32 v4, v34;
	_ =	sdelay $0x3  }
0x10c: {  	[tilespmem:v56+s17+$0x0] =	vst.idx.msk $0xffff, v33  }
0x10d: {  	v58 =	vor.u32 v5, v32;
	v33 =	vld.idx.msk [tilespmem:v57+s3+$0x0], $0xffff  }
0x10e: {  	v59 =	vor.u32 v6, v34;
	_ =	sdelay $0x3  }
0x10f: {  	[tilespmem:v58+s17+$0x0] =	vst.idx.msk $0xffff, v33  }
0x110: {  	v60 =	vor.u32 v7, v32;
	v33 =	vld.idx.msk [tilespmem:v59+s3+$0x0], $0xffff  }
0x111: {  	v61 =	vor.u32 v8, v34;
	_ =	sdelay $0x3  }
0x112: {  	[tilespmem:v60+s17+$0x0] =	vst.idx.msk $0xffff, v33  }
0x113: {  	v62 =	vor.u32 v9, v32;
	v33 =	vld.idx.msk [tilespmem:v61+s3+$0x0], $0xffff  }
0x114: {  	v63 =	vor.u32 v10, v34;
	_ =	sdelay $0x3  }
0x115: {  	[tilespmem:v62+s17+$0x0] =	vst.idx.msk $0xffff, v33  }
0x116: {  	v40 =	vor.u32 v11, v32;
	v33 =	vld.idx.msk [tilespmem:v63+s3+$0x0], $0xffff  }
0x117: {  	v41 =	vor.u32 v12, v34;
	_ =	sdelay $0x3  }
0x118: {  	[tilespmem:v40+s17+$0x0] =	vst.idx.msk $0xffff, v33  }
0x119: {  	v42 =	vor.u32 v13, v32;
	v33 =	vld.idx.msk [tilespmem:v41+s3+$0x0], $0xffff  }
0x11a: {  	v43 =	vor.u32 v15, v34;
	_ =	sdelay $0x3  }
0x11b: {  	[tilespmem:v42+s17+$0x0] =	vst.idx.msk $0xffff, v33  }
0x11c: {  	v44 =	vor.u32 v16, v32;
	v33 =	vld.idx.msk [tilespmem:v43+s3+$0x0], $0xffff  }
0x11d: {  	v45 =	vor.u32 v17, v34;
	_ =	sdelay $0x3  }
0x11e: {  	[tilespmem:v44+s17+$0x0] =	vst.idx.msk $0xffff, v33  }
0x11f: {  	v46 =	vor.u32 v14, v32;
	v33 =	vld.idx.msk [tilespmem:v45+s3+$0x0], $0xffff  }
0x120: {  	v47 =	vor.u32 v18, v34;
	_ =	sdelay $0x3  }
0x121: {  	[tilespmem:v46+s17+$0x0] =	vst.idx.msk $0xffff, v33  }
0x122: {  	v48 =	vor.u32 v19, v32;
	v33 =	vld.idx.msk [tilespmem:v47+s3+$0x0], $0xffff  }
0x123: {  	v49 =	vor.u32 v20, v34;
	_ =	sdelay $0x3  }
0x124: {  	[tilespmem:v48+s17+$0x0] =	vst.idx.msk $0xffff, v33  }
0x125: {  	v50 =	vor.u32 v21, v32;
	v33 =	vld.idx.msk [tilespmem:v49+s3+$0x0], $0xffff  }
0x126: {  	v51 =	vor.u32 v22, v34;
	_ =	sdelay $0x3  }
0x127: {  	[tilespmem:v50+s17+$0x0] =	vst.idx.msk $0xffff, v33  }
0x128: {  	v52 =	vor.u32 v23, v32;
	v33 =	vld.idx.msk [tilespmem:v51+s3+$0x0], $0xffff  }
0x129: {  	v53 =	vor.u32 v24, v34;
	_ =	sdelay $0x3  }
0x12a: {  	[tilespmem:v52+s17+$0x0] =	vst.idx.msk $0xffff, v33  }
0x12b: {  	v54 =	vor.u32 v25, v32;
	v33 =	vld.idx.msk [tilespmem:v53+s3+$0x0], $0xffff  }
0x12c: {  	v55 =	vor.u32 v26, v34;
	_ =	sdelay $0x3  }
0x12d: {  	[tilespmem:v54+s17+$0x0] =	vst.idx.msk $0xffff, v33  }
0x12e: {  	v56 =	vor.u32 v27, v32;
	v33 =	vld.idx.msk [tilespmem:v55+s3+$0x0], $0xffff  }
0x12f: {  	v57 =	vor.u32 v28, v34;
	_ =	sdelay $0x3  }
0x130: {  	[tilespmem:v56+s17+$0x0] =	vst.idx.msk $0xffff, v33  }
0x131: {  	v58 =	vor.u32 v29, v32;
	v33 =	vld.idx.msk [tilespmem:v57+s3+$0x0], $0xffff  }
0x132: {  	v34 =	vor.u32 v30, v34;
	_ =	sdelay $0x3  }
0x133: {  	[tilespmem:v58+s17+$0x0] =	vst.idx.msk $0xffff, v33  }
0x134: {  	v32 =	vor.u32 v31, v32;
	v33 =	vld.idx.msk [tilespmem:v34+s3+$0x0], $0xffff;
	_ =	sdelay $0x3  }
0x135: {  	s26 =	sshll.u32 s26, $0x9  }
0x136: {  	p1 =	seq.s32 s23, $0x9E;
	s26 =	sadd.s32 s7, s26;
	[tilespmem:v32+s17+$0x0] =	vst.idx.msk $0xffff, v33  }
0x137: {  	[hbm4b:s26+s3] =	stream.linear.scatter [tilespmem:s17], [sflag:$0x3], $0x1000, $0x38;
	[tilespmem:$0x4000] =	vst v63  }
0x138: {  	s26 =	sadd.s32 @!p1 s9, s24  }
0x139: {  	p2 =	slt.u32 @!p1 s26, $0x27AC;
	s26 =	sshll.u32 @!p1 s26, $0xB  }
0x13a: {  	s28 =	sadd.s32 @!p1 $0xFEC2A000, s26;
	p2 =	por !p2, p1  }
0x13b: {  	s31 =	simm.s32 $0x0;
	s29 =	simm.s32 @!p1 $0x13D6400;
	s26 =	smov.u32 @p2 s28  }
0x13c: {  	s30 =	simm.s32 @!p1 $0x0;
	v59 =	vmov s31;
	p2 =	seq.s32 @!p1 s23, $0x0;
	s26 =	sshrl.u32 @!p1 s26, $0x3  }
0x13d: {  	v60 =	vor.u32 s31, v0;
	v32 =	vshll.u32 v59, $0x3;
	s28 =	simm.s32 @!p1 $0x800;
	p2 =	por p1, !p2;
	s26 =	sadd.s32 @!p1 s0, s26  }
0x13e: {  	v61 =	vand.u32 $0x7F, v60;
	v32 =	vand.u32 $0x400, v32;
	[tilespmem:s30], [sflag:$0x1] =	stream.strided.gather @!p1 [hbm4b:s26+s28], $0x1000, s29, s28, $0x38;
	[tilespmem:$0x4000] =	vst v63  }
0x13f: {  	v36 =	vor.u32 v32, v61;
	_ =	swait.ge @p2 [sflag:s21], $0x1000  }
0x140: {  	v34 =	vor.u32 v1, v36;
	[sflag:s21] =	ssyncset.done @p2 $0x0  }
0x141: {  	[sflag:s21] =	ssyncadd.s32 @p2 $0xFFFFF000  }
0x142: {  	_ =	swait.ge [sflag:s18], $0x1000  }
0x143: {  	[sflag:s18] =	ssyncset.done $0x0  }
0x144: {  	v32 =	vshll.u32 v60, $0x4;
	[sflag:s18] =	ssyncadd.s32 $0xFFFFF000  }
0x145: {  	v63 =	vor.u32 v0, v32;
	v62 =	vld.idx.msk [tilespmem:v34+s15+$0x0], $0xffff  }
0x146: {  	v37 =	vor.u32 v2, v36;
	_ =	sdelay $0x3  }
0x147: {  	[tilespmem:v63+s19+$0x0] =	vst.idx.msk $0xffff, v62  }
0x148: {  	v38 =	vor.u32 v3, v32;
	v33 =	vld.idx.msk [tilespmem:v37+s15+$0x0], $0xffff  }
0x149: {  	v39 =	vor.u32 v4, v36;
	_ =	sdelay $0x3  }
0x14a: {  	[tilespmem:v38+s19+$0x0] =	vst.idx.msk $0xffff, v33  }
0x14b: {  	v40 =	vor.u32 v5, v32;
	v33 =	vld.idx.msk [tilespmem:v39+s15+$0x0], $0xffff  }
0x14c: {  	v41 =	vor.u32 v6, v36;
	_ =	sdelay $0x3  }
0x14d: {  	[tilespmem:v40+s19+$0x0] =	vst.idx.msk $0xffff, v33  }
0x14e: {  	v42 =	vor.u32 v7, v32;
	v33 =	vld.idx.msk [tilespmem:v41+s15+$0x0], $0xffff  }
0x14f: {  	v43 =	vor.u32 v8, v36;
	_ =	sdelay $0x3  }
0x150: {  	[tilespmem:v42+s19+$0x0] =	vst.idx.msk $0xffff, v33  }
0x151: {  	v44 =	vor.u32 v9, v32;
	v33 =	vld.idx.msk [tilespmem:v43+s15+$0x0], $0xffff  }
0x152: {  	v45 =	vor.u32 v10, v36;
	_ =	sdelay $0x3  }
0x153: {  	[tilespmem:v44+s19+$0x0] =	vst.idx.msk $0xffff, v33  }
0x154: {  	v46 =	vor.u32 v11, v32;
	v33 =	vld.idx.msk [tilespmem:v45+s15+$0x0], $0xffff  }
0x155: {  	v47 =	vor.u32 v12, v36;
	_ =	sdelay $0x3  }
0x156: {  	[tilespmem:v46+s19+$0x0] =	vst.idx.msk $0xffff, v33  }
0x157: {  	v48 =	vor.u32 v13, v32;
	v33 =	vld.idx.msk [tilespmem:v47+s15+$0x0], $0xffff  }
0x158: {  	v49 =	vor.u32 v15, v36;
	_ =	sdelay $0x3  }
0x159: {  	[tilespmem:v48+s19+$0x0] =	vst.idx.msk $0xffff, v33  }
0x15a: {  	v50 =	vor.u32 v16, v32;
	v33 =	vld.idx.msk [tilespmem:v49+s15+$0x0], $0xffff  }
0x15b: {  	v51 =	vor.u32 v17, v36;
	_ =	sdelay $0x3  }
0x15c: {  	[tilespmem:v50+s19+$0x0] =	vst.idx.msk $0xffff, v33  }
0x15d: {  	v52 =	vor.u32 v14, v32;
	v33 =	vld.idx.msk [tilespmem:v51+s15+$0x0], $0xffff  }
0x15e: {  	v53 =	vor.u32 v18, v36;
	_ =	sdelay $0x3  }
0x15f: {  	[tilespmem:v52+s19+$0x0] =	vst.idx.msk $0xffff, v33  }
0x160: {  	v54 =	vor.u32 v19, v32;
	v33 =	vld.idx.msk [tilespmem:v53+s15+$0x0], $0xffff  }
0x161: {  	v55 =	vor.u32 v20, v36;
	_ =	sdelay $0x3  }
0x162: {  	[tilespmem:v54+s19+$0x0] =	vst.idx.msk $0xffff, v33  }
0x163: {  	v56 =	vor.u32 v21, v32;
	v33 =	vld.idx.msk [tilespmem:v55+s15+$0x0], $0xffff  }
0x164: {  	v57 =	vor.u32 v22, v36;
	_ =	sdelay $0x3  }
0x165: {  	[tilespmem:v56+s19+$0x0] =	vst.idx.msk $0xffff, v33  }
0x166: {  	v58 =	vor.u32 v23, v32;
	v33 =	vld.idx.msk [tilespmem:v57+s15+$0x0], $0xffff  }
0x167: {  	v59 =	vor.u32 v24, v36;
	_ =	sdelay $0x3  }
0x168: {  	[tilespmem:v58+s19+$0x0] =	vst.idx.msk $0xffff, v33  }
0x169: {  	v60 =	vor.u32 v25, v32;
	v33 =	vld.idx.msk [tilespmem:v59+s15+$0x0], $0xffff  }
0x16a: {  	v61 =	vor.u32 v26, v36;
	_ =	sdelay $0x3  }
0x16b: {  	[tilespmem:v60+s19+$0x0] =	vst.idx.msk $0xffff, v33  }
0x16c: {  	v62 =	vor.u32 v27, v32;
	v33 =	vld.idx.msk [tilespmem:v61+s15+$0x0], $0xffff  }
0x16d: {  	v63 =	vor.u32 v28, v36;
	_ =	sdelay $0x3  }
0x16e: {  	[tilespmem:v62+s19+$0x0] =	vst.idx.msk $0xffff, v33  }
0x16f: {  	v35 =	vor.u32 v29, v32;
	v34 =	vld.idx.msk [tilespmem:v63+s15+$0x0], $0xffff  }
0x170: {  	v33 =	vor.u32 v30, v36;
	_ =	sdelay $0x1  }
0x171: {  	s26 =	simm.s32 $0x10  }
0x172: {  	s28 =	simm.s32 $0x20;
	v36 =	vmov s26  }
.LBB2_5:
0x173: {  	p2 =	sne.s32 s28, $0xF0;
	v37 =	vor.u32 s26, v0;
	v36 =	vshll.u32 v36, $0x3;
	[tilespmem:v35+s19+$0x0] =	vst.idx.msk $0xffff, v34;
	s26 =	smov.u32 s28  }
0x174: {  	v34 =	vand.u32 $0x7F, v37;
	v35 =	vand.u32 $0x400, v36;
	v36 =	vld.idx.msk [tilespmem:v33+s15+$0x0], $0xffff  }
0x175: {  	v32 =	vor.u32 v31, v32;
	v33 =	vor.u32 v35, v34  }
0x176: {  	v34 =	vor.u32 v1, v33;
	_ =	sdelay $0x3  }
0x177: {  	[tilespmem:v32+s19+$0x0] =	vst.idx.msk $0xffff, v36  }
0x178: {  	v32 =	vshll.u32 v37, $0x4;
	v34 =	vld.idx.msk [tilespmem:v34+s15+$0x0], $0xffff  }
0x179: {  	v35 =	vor.u32 v0, v32  }
0x17a: {  	v36 =	vor.u32 v2, v33;
	_ =	sdelay $0x3  }
0x17b: {  	[tilespmem:v35+s19+$0x0] =	vst.idx.msk $0xffff, v34  }
0x17c: {  	v34 =	vld.idx.msk [tilespmem:v36+s15+$0x0], $0xffff  }
0x17d: {  	v35 =	vor.u32 v3, v32  }
0x17e: {  	v36 =	vor.u32 v4, v33;
	_ =	sdelay $0x3  }
0x17f: {  	[tilespmem:v35+s19+$0x0] =	vst.idx.msk $0xffff, v34  }
0x180: {  	v34 =	vld.idx.msk [tilespmem:v36+s15+$0x0], $0xffff  }
0x181: {  	v35 =	vor.u32 v5, v32  }
0x182: {  	v36 =	vor.u32 v6, v33;
	_ =	sdelay $0x3  }
0x183: {  	[tilespmem:v35+s19+$0x0] =	vst.idx.msk $0xffff, v34  }
0x184: {  	v34 =	vld.idx.msk [tilespmem:v36+s15+$0x0], $0xffff  }
0x185: {  	v35 =	vor.u32 v7, v32  }
0x186: {  	v36 =	vor.u32 v8, v33;
	_ =	sdelay $0x3  }
0x187: {  	[tilespmem:v35+s19+$0x0] =	vst.idx.msk $0xffff, v34  }
0x188: {  	v34 =	vld.idx.msk [tilespmem:v36+s15+$0x0], $0xffff  }
0x189: {  	v35 =	vor.u32 v9, v32  }
0x18a: {  	v36 =	vor.u32 v10, v33;
	_ =	sdelay $0x3  }
0x18b: {  	[tilespmem:v35+s19+$0x0] =	vst.idx.msk $0xffff, v34  }
0x18c: {  	v34 =	vld.idx.msk [tilespmem:v36+s15+$0x0], $0xffff  }
0x18d: {  	v35 =	vor.u32 v11, v32  }
0x18e: {  	v36 =	vor.u32 v12, v33;
	_ =	sdelay $0x3  }
0x18f: {  	[tilespmem:v35+s19+$0x0] =	vst.idx.msk $0xffff, v34  }
0x190: {  	v34 =	vld.idx.msk [tilespmem:v36+s15+$0x0], $0xffff  }
0x191: {  	v35 =	vor.u32 v13, v32  }
0x192: {  	v36 =	vor.u32 v15, v33;
	_ =	sdelay $0x3  }
0x193: {  	[tilespmem:v35+s19+$0x0] =	vst.idx.msk $0xffff, v34  }
0x194: {  	v34 =	vld.idx.msk [tilespmem:v36+s15+$0x0], $0xffff  }
0x195: {  	v35 =	vor.u32 v16, v32  }
0x196: {  	v36 =	vor.u32 v17, v33;
	_ =	sdelay $0x3  }
0x197: {  	[tilespmem:v35+s19+$0x0] =	vst.idx.msk $0xffff, v34  }
0x198: {  	v34 =	vld.idx.msk [tilespmem:v36+s15+$0x0], $0xffff  }
0x199: {  	v35 =	vor.u32 v14, v32  }
0x19a: {  	v36 =	vor.u32 v18, v33;
	_ =	sdelay $0x3  }
0x19b: {  	[tilespmem:v35+s19+$0x0] =	vst.idx.msk $0xffff, v34  }
0x19c: {  	v34 =	vld.idx.msk [tilespmem:v36+s15+$0x0], $0xffff  }
0x19d: {  	v35 =	vor.u32 v19, v32  }
0x19e: {  	v36 =	vor.u32 v20, v33;
	_ =	sdelay $0x3  }
0x19f: {  	[tilespmem:v35+s19+$0x0] =	vst.idx.msk $0xffff, v34  }
0x1a0: {  	v34 =	vld.idx.msk [tilespmem:v36+s15+$0x0], $0xffff  }
0x1a1: {  	v35 =	vor.u32 v21, v32  }
0x1a2: {  	v36 =	vor.u32 v22, v33;
	_ =	sdelay $0x3  }
0x1a3: {  	[tilespmem:v35+s19+$0x0] =	vst.idx.msk $0xffff, v34  }
0x1a4: {  	v34 =	vld.idx.msk [tilespmem:v36+s15+$0x0], $0xffff  }
0x1a5: {  	v35 =	vor.u32 v23, v32  }
0x1a6: {  	v36 =	vor.u32 v24, v33;
	_ =	sdelay $0x3  }
0x1a7: {  	[tilespmem:v35+s19+$0x0] =	vst.idx.msk $0xffff, v34  }
0x1a8: {  	v34 =	vld.idx.msk [tilespmem:v36+s15+$0x0], $0xffff  }
0x1a9: {  	v35 =	vor.u32 v25, v32  }
0x1aa: {  	v36 =	vor.u32 v26, v33;
	_ =	sdelay $0x3  }
0x1ab: {  	[tilespmem:v35+s19+$0x0] =	vst.idx.msk $0xffff, v34  }
0x1ac: {  	v34 =	vld.idx.msk [tilespmem:v36+s15+$0x0], $0xffff  }
0x1ad: {  	v35 =	vor.u32 v27, v32  }
0x1ae: {  	v36 =	vor.u32 v28, v33;
	_ =	sdelay $0x3  }
0x1af: {  	[tilespmem:v35+s19+$0x0] =	vst.idx.msk $0xffff, v34  }
0x1b0: {  	v34 =	vld.idx.msk [tilespmem:v36+s15+$0x0], $0xffff  }
.Ltmp3:
0x1b1: {  	v35 =	vor.u32 v29, v32;
	(pc) =	sbr.rel @p2 .LBB2_5-.Ltmp3, $2  }
0x1b2: {  	v33 =	vor.u32 v30, v33;
	_ =	sdelay $0x2  }
0x1b3: {  	s28 =	sadd.s32 $0x10, s28;
	v36 =	vmov s26  }
0x1b4: {  	_ =	sdelay $0x2  }
0x1b5: {  	v37 =	vor.u32 s26, v0;
	v36 =	vshll.u32 v36, $0x3  }
0x1b6: {  	[tilespmem:v35+s19+$0x0] =	vst.idx.msk $0xffff, v34;
	v57 =	vand.u32 $0x7F, v37;
	v58 =	vand.u32 $0x400, v36  }
0x1b7: {  	v32 =	vor.u32 v31, v32;
	v33 =	vld.idx.msk [tilespmem:v33+s15+$0x0], $0xffff;
	v34 =	vor.u32 v58, v57  }
0x1b8: {  	v35 =	vor.u32 v1, v34;
	_ =	sdelay $0x3  }
0x1b9: {  	[tilespmem:v32+s19+$0x0] =	vst.idx.msk $0xffff, v33;
	v32 =	vshll.u32 v37, $0x4  }
0x1ba: {  	v59 =	vor.u32 v0, v32;
	v33 =	vld.idx.msk [tilespmem:v35+s15+$0x0], $0xffff  }
0x1bb: {  	v60 =	vor.u32 v2, v34;
	_ =	sdelay $0x3  }
0x1bc: {  	[tilespmem:v59+s19+$0x0] =	vst.idx.msk $0xffff, v33  }
0x1bd: {  	v61 =	vor.u32 v3, v32;
	v33 =	vld.idx.msk [tilespmem:v60+s15+$0x0], $0xffff  }
0x1be: {  	v62 =	vor.u32 v4, v34;
	_ =	sdelay $0x3  }
0x1bf: {  	[tilespmem:v61+s19+$0x0] =	vst.idx.msk $0xffff, v33  }
0x1c0: {  	v63 =	vor.u32 v5, v32;
	v33 =	vld.idx.msk [tilespmem:v62+s15+$0x0], $0xffff  }
0x1c1: {  	v40 =	vor.u32 v6, v34;
	_ =	sdelay $0x3  }
0x1c2: {  	[tilespmem:v63+s19+$0x0] =	vst.idx.msk $0xffff, v33  }
0x1c3: {  	v41 =	vor.u32 v7, v32;
	v33 =	vld.idx.msk [tilespmem:v40+s15+$0x0], $0xffff  }
0x1c4: {  	v42 =	vor.u32 v8, v34;
	_ =	sdelay $0x3  }
0x1c5: {  	[tilespmem:v41+s19+$0x0] =	vst.idx.msk $0xffff, v33  }
0x1c6: {  	v43 =	vor.u32 v9, v32;
	v33 =	vld.idx.msk [tilespmem:v42+s15+$0x0], $0xffff  }
0x1c7: {  	v44 =	vor.u32 v10, v34;
	_ =	sdelay $0x3  }
0x1c8: {  	[tilespmem:v43+s19+$0x0] =	vst.idx.msk $0xffff, v33  }
0x1c9: {  	v45 =	vor.u32 v11, v32;
	v33 =	vld.idx.msk [tilespmem:v44+s15+$0x0], $0xffff  }
0x1ca: {  	v46 =	vor.u32 v12, v34;
	_ =	sdelay $0x3  }
0x1cb: {  	[tilespmem:v45+s19+$0x0] =	vst.idx.msk $0xffff, v33  }
0x1cc: {  	v47 =	vor.u32 v13, v32;
	v33 =	vld.idx.msk [tilespmem:v46+s15+$0x0], $0xffff  }
0x1cd: {  	v48 =	vor.u32 v15, v34;
	_ =	sdelay $0x3  }
0x1ce: {  	[tilespmem:v47+s19+$0x0] =	vst.idx.msk $0xffff, v33  }
0x1cf: {  	v49 =	vor.u32 v16, v32;
	v33 =	vld.idx.msk [tilespmem:v48+s15+$0x0], $0xffff  }
0x1d0: {  	v50 =	vor.u32 v17, v34;
	_ =	sdelay $0x3  }
0x1d1: {  	[tilespmem:v49+s19+$0x0] =	vst.idx.msk $0xffff, v33  }
0x1d2: {  	v51 =	vor.u32 v14, v32;
	v33 =	vld.idx.msk [tilespmem:v50+s15+$0x0], $0xffff  }
0x1d3: {  	v52 =	vor.u32 v18, v34;
	_ =	sdelay $0x3  }
0x1d4: {  	[tilespmem:v51+s19+$0x0] =	vst.idx.msk $0xffff, v33  }
0x1d5: {  	v53 =	vor.u32 v19, v32;
	v33 =	vld.idx.msk [tilespmem:v52+s15+$0x0], $0xffff  }
0x1d6: {  	v54 =	vor.u32 v20, v34;
	_ =	sdelay $0x3  }
0x1d7: {  	[tilespmem:v53+s19+$0x0] =	vst.idx.msk $0xffff, v33  }
0x1d8: {  	v55 =	vor.u32 v21, v32;
	v33 =	vld.idx.msk [tilespmem:v54+s15+$0x0], $0xffff  }
0x1d9: {  	v56 =	vor.u32 v22, v34;
	_ =	sdelay $0x3  }
0x1da: {  	[tilespmem:v55+s19+$0x0] =	vst.idx.msk $0xffff, v33  }
0x1db: {  	v57 =	vor.u32 v23, v32;
	v33 =	vld.idx.msk [tilespmem:v56+s15+$0x0], $0xffff  }
0x1dc: {  	v58 =	vor.u32 v24, v34;
	_ =	sdelay $0x3  }
0x1dd: {  	[tilespmem:v57+s19+$0x0] =	vst.idx.msk $0xffff, v33  }
0x1de: {  	v59 =	vor.u32 v25, v32;
	v33 =	vld.idx.msk [tilespmem:v58+s15+$0x0], $0xffff  }
0x1df: {  	v60 =	vor.u32 v26, v34;
	_ =	sdelay $0x3  }
0x1e0: {  	[tilespmem:v59+s19+$0x0] =	vst.idx.msk $0xffff, v33  }
0x1e1: {  	v61 =	vor.u32 v27, v32;
	v33 =	vld.idx.msk [tilespmem:v60+s15+$0x0], $0xffff  }
0x1e2: {  	v62 =	vor.u32 v28, v34;
	_ =	sdelay $0x3  }
0x1e3: {  	[tilespmem:v61+s19+$0x0] =	vst.idx.msk $0xffff, v33  }
0x1e4: {  	v63 =	vor.u32 v29, v32;
	v33 =	vld.idx.msk [tilespmem:v62+s15+$0x0], $0xffff  }
0x1e5: {  	v34 =	vor.u32 v30, v34;
	_ =	sdelay $0x3  }
0x1e6: {  	[tilespmem:v63+s19+$0x0] =	vst.idx.msk $0xffff, v33  }
0x1e7: {  	v32 =	vor.u32 v31, v32;
	v33 =	vld.idx.msk [tilespmem:v34+s15+$0x0], $0xffff  }
0x1e8: {  	s26 =	sshll.u32 s25, $0xC  }
.Ltmp4:
0x1e9: {  	p2 =	slt.u32 s25, $0x27AC;
	s25 =	sadd.s32 $0xFD854000, s26;
	(pc) =	sbr.rel @p1 .LBB2_8-.Ltmp4, $4  }
0x1ea: {  	s25 =	smov.u32 @p2 s26  }
0x1eb: {  	s25 =	sshrl.u32 s25, $0x3  }
0x1ec: {  	s25 =	sadd.s32 s7, s25;
	[tilespmem:v32+s19+$0x0] =	vst.idx.msk $0xffff, v33  }
0x1ed: {  	[hbm4b:s25+s3] =	stream.linear.scatter [tilespmem:s19], [sflag:$0x4], $0x1000, $0x38;
	[tilespmem:$0x4000] =	vst v63  }
0x1ee: {  	s24 =	sadd.s32 s10, s24  }
0x1ef: {  	s25 =	sshll.u32 s24, $0xB  }
.Ltmp5:
0x1f0: {  	p1 =	slt.u32 s24, $0x27AC;
	s24 =	sadd.s32 $0xFEC2A000, s25;
	(pc) =	sbr.rel .LBB2_2-.Ltmp5, $4  }
0x1f1: {  	s24 =	smov.u32 @p1 s25  }
0x1f2: {  	s24 =	sshrl.u32 s24, $0x3  }
0x1f3: {  	s23 =	sadd.s32 $0x1, s23;
	s24 =	sadd.s32 s0, s24  }
0x1f4: {  	[tilespmem:s15], [sflag:$0x2] =	stream.strided.gather [hbm4b:s24+s13], $0x1000, s14, s13, $0x38;
	[tilespmem:$0x4000] =	vst v63  }
.LBB2_9:
0x1f5: {  	_ =	sfence.sel $0x180000  }
0x1f6: {  	[bflag:$0x0] =	sbarrier.arrive $0xFFFF  }
0x1f7: {  	p0 =	sne.s32 s2, $0x0;
	_ =	strace $0x90000047  }
0x1f8: {  	s0 =	sadd.s32 @!p0 $0x100000, s1;
	[bflag:$0x2] =	sbarrier.arrive $0xFFFF  }
0x1f9: {  	[sflag:s0] =	ssyncadd.tile.s32 @!p0 $0x1;
	_ =	shalt  }
.Lfunc_end2:
_tile_overlayer_lowered:
.L_overlay_start_2:
0x1fa: {  	(tag) =	ssettag $0x2  }
0x1fb: {  	s0 =	rddreg [dreg:$0x0];
	s2 =	stileid.u32  }
0x1fc: {  	s1 =	rddreg [dreg:$0x1];
	p0 =	sne.s32 s2, $0x0  }
0x1fd: {  	s3 =	rddreg [dreg:$0x2];
	[bflag:$0x3] =	sbarrier.arrive $0xFFFF;
	s2 =	simm.s32 @!p0 $0x1C05  }
0x1fe: {  	[timem:s3], [sflag:s2] =	dma.local @!p0 [hbm:s0], s1  }
0x1ff: {  	s0 =	simm.s32 @!p0 $0x5  }
0x200: {  	_ =	swait.ge @!p0 [sflag:s0], s1  }
0x201: {  	s1 =	ssub.s32 @!p0 $0x0, s1;
	[sflag:s0] =	ssyncset.done @!p0 $0x0  }
0x202: {  	[sflag:s0] =	ssyncadd.s32 @!p0 s1  }
0x203: {  	[bflag:$0x3] =	sbarrier.arrive $0xFFFF  }
0x204: {  	_ =	shalt  }

// kernel: kernel.7.cloned.1.call-start
scs
__scs_entry_jumppad:
0x0: {  	(pc) =	sbr.rel $0x88, $3  }
0x1: {  	(tag) =	ssettag $0x0;
	lr =	simm.s32 $0x1  }
0x2: {  	[smem:$0x3F9F] =	sst lr;
	_ =	strace $0xD0000000  }
0x3: {  	_ = 	snop  }
0x4: {  	_ = 	snop  }
0x5: {  	_ = 	snop  }
0x6: {  	_ = 	snop  }
0x7: {  	_ = 	snop  }
__scs_overlays_trampoline_lowered:
0x8: {  	[smem:$0x3FAE] =	sst s0  }
0x9: {  	[smem:$0x3FAF] =	sst s1  }
0xa: {  	[smem:$0x3FB0] =	sst s2  }
0xb: {  	[smem:$0x3FB1] =	sst s3  }
0xc: {  	[smem:$0x3FB2] =	sst s4  }
0xd: {  	[smem:$0x3FB3] =	sst s5  }
0xe: {  	[smem:$0x3FB4] =	sst s6  }
0xf: {  	[smem:$0x3FB5] =	sst s7  }
0x10: {  	[smem:$0x3FB6] =	sst s8  }
0x11: {  	[smem:$0x3FB7] =	sst s9;
	s0 =	simm.s32 @!p0 $0x0  }
0x12: {  	s1 =	sld [smem:$0x3F9D];
	s0 =	simm.s32 @p0 $0x1  }
0x13: {  	[smem:$0x3FB8] =	sst s0;
	s0 =	simm.s32 @!p1 $0x0  }
0x14: {  	s2 =	sld [smem:$0x3F9C];
	s0 =	simm.s32 @p1 $0x1  }
0x15: {  	[smem:$0x3FB9] =	sst s0;
	s0 =	simm.s32 @!p2 $0x0  }
0x16: {  	s3 =	sld [smem:$0x3FDB];
	s0 =	simm.s32 @p2 $0x1  }
0x17: {  	s4 =	simm.s32 $0x1BF5;
	[smem:$0x3FBB] =	sst s0  }
0x18: {  	s0 =	sld [smem:$0x3F9E];
	_ =	swait.ge [sflag:s4], $0x0  }
0x19: {  	s7 =	sld [smem:$0x3F9F]  }
0x1a: {  	s8 =	sadd.s32 $0xFFFFE003, lr  }
0x1b: {  	s9 =	sadd.s32 $0xFFFFFEF7, lr;
	s5 =	simm.s32 $0xFFFFFFFF;
	p2 =	slt.u32 s8, $0xFFFFF086  }
0x1c: {  	p1 =	slt.u32 s9, $0xF7A;
	s5 =	simm.s32 @!p2 $0x0  }
0x1d: {  	s5 =	simm.s32 @p1 $0x1;
	p0 =	seq.s32 s7, s2  }
0x1e: {  	s7 =	smul.u32 @!p0 $0xF7A, s2;
	p2 =	seq.s32 @!p0 s5, $0x0  }
0x1f: {  	s9 =	smul.u32 $0xF7A, s1;
	s8 =	simm.s32 @!p0 $0x1BF5;
	p2 =	por !p2, p0  }
0x20: {  	[sflag:s8] =	ssyncset.s32 @!p0 $0xFFFFF086;
	s6 =	sadd.s32 @!p0 s3, s7;
	s7 =	simm.s32 @!p0 $0x108  }
0x21: {  	s3 =	sadd.s32 s3, s9;
	s6 =	sadd.s32 @!p0 $0x88, s6;
	s7 =	simm.s32 @p2 $0x1082  }
0x22: {  	[simem:s7], [sflag:s8] =	dma.local @!p0 [hbm:s6], $0xF7A  }
0x23: {  	s9 =	sor.u32 $0xD0000000, s2;
	s6 =	simm.s32 $0x108;
	_ =	swait.ge @!p0 [sflag:s8], $0x0  }
0x24: {  	s3 =	sadd.s32 $0x88, s3;
	s6 =	simm.s32 @!p1 $0x1082;
	[sflag:s4] =	ssyncset.s32 $0xFFFFF086  }
0x25: {  	[simem:s6], [sflag:s4] =	dma.local [hbm:s3], $0xF7A  }
0x26: {  	[smem:$0x3F9F] =	sst s1;
	(tag) =	ssettag s2;
	_ =	strace s9  }
0x27: {  	s1 =	sld [smem:$0x3FAF]  }
0x28: {  	s2 =	sld [smem:$0x3FB0]  }
0x29: {  	s4 =	sld [smem:$0x3FB2]  }
0x2a: {  	p0 =	seq.s32 s5, $0x0;
	s5 =	sld [smem:$0x3FB3]  }
0x2b: {  	s6 =	sld [smem:$0x3FB4]  }
0x2c: {  	s7 =	sld [smem:$0x3FB5]  }
0x2d: {  	s3 =	simm.s32 $0x108;
	s8 =	sld [smem:$0x3FB6]  }
0x2e: {  	s3 =	simm.s32 @!p0 $0x1082;
	s9 =	sld [smem:$0x3FB7]  }
0x2f: {  	lr =	sadd.s32 s0, s3;
	s0 =	sld [smem:$0x3FAE]  }
0x30: {  	s3 =	sld [smem:$0x3FB1]  }
0x31: {  	[smem:$0x3FBA] =	sst s10  }
0x32: {  	s10 =	sld [smem:$0x3FB8];
	_ =	sdelay $0x3  }
0x33: {  	p0 =	seq.s32 s10, $0x1;
	s10 =	sld [smem:$0x3FBA];
	_ =	sdelay $0x3  }
0x34: {  	[smem:$0x3FBA] =	sst s10  }
0x35: {  	s10 =	sld [smem:$0x3FB9];
	_ =	sdelay $0x3  }
0x36: {  	p1 =	seq.s32 s10, $0x1;
	s10 =	sld [smem:$0x3FBA];
	_ =	sdelay $0x3  }
0x37: {  	[smem:$0x3FBA] =	sst s10  }
0x38: {  	s10 =	sld [smem:$0x3FBB]  }
0x39: {  	_ = 	snop;
	(pc) =	sbr.ind lr, $3  }
0x3a: {  	_ = 	snop  }
0x3b: {  	_ = 	snop  }
0x3c: {  	p2 =	seq.s32 s10, $0x1;
	s10 =	sld [smem:$0x3FBA]  }
0x3d: {  	_ =	shalt  }
0x3e: {  	_ =	shalt  }
0x3f: {  	_ =	shalt  }
0x40: {  	_ =	shalt  }
0x41: {  	_ =	shalt  }
0x42: {  	_ =	shalt  }
0x43: {  	_ =	shalt  }
0x44: {  	_ =	shalt  }
0x45: {  	_ =	shalt  }
0x46: {  	_ =	shalt  }
0x47: {  	_ =	shalt  }
0x48: {  	_ =	shalt  }
0x49: {  	_ =	shalt  }
0x4a: {  	_ =	shalt  }
0x4b: {  	_ =	shalt  }
0x4c: {  	_ =	shalt  }
0x4d: {  	_ =	shalt  }
0x4e: {  	_ =	shalt  }
0x4f: {  	_ =	shalt  }
0x50: {  	_ =	shalt  }
0x51: {  	_ =	shalt  }
0x52: {  	_ =	shalt  }
0x53: {  	_ =	shalt  }
0x54: {  	_ =	shalt  }
0x55: {  	_ =	shalt  }
0x56: {  	_ =	shalt  }
0x57: {  	_ =	shalt  }
0x58: {  	_ =	shalt  }
0x59: {  	_ =	shalt  }
0x5a: {  	_ =	shalt  }
0x5b: {  	_ =	shalt  }
0x5c: {  	_ =	shalt  }
0x5d: {  	_ =	shalt  }
0x5e: {  	_ =	shalt  }
0x5f: {  	_ =	shalt  }
0x60: {  	_ =	shalt  }
0x61: {  	_ =	shalt  }
0x62: {  	_ =	shalt  }
0x63: {  	_ =	shalt  }
0x64: {  	_ =	shalt  }
0x65: {  	_ =	shalt  }
0x66: {  	_ =	shalt  }
0x67: {  	_ =	shalt  }
0x68: {  	_ =	shalt  }
0x69: {  	_ =	shalt  }
0x6a: {  	_ =	shalt  }
0x6b: {  	_ =	shalt  }
0x6c: {  	_ =	shalt  }
0x6d: {  	_ =	shalt  }
0x6e: {  	_ =	shalt  }
0x6f: {  	_ =	shalt  }
0x70: {  	_ =	shalt  }
0x71: {  	_ =	shalt  }
0x72: {  	_ =	shalt  }
0x73: {  	_ =	shalt  }
0x74: {  	_ =	shalt  }
0x75: {  	_ =	shalt  }
0x76: {  	_ =	shalt  }
0x77: {  	_ =	shalt  }
0x78: {  	_ =	shalt  }
0x79: {  	_ =	shalt  }
0x7a: {  	_ =	shalt  }
0x7b: {  	_ =	shalt  }
0x7c: {  	_ =	shalt  }
0x7d: {  	_ =	shalt  }
0x7e: {  	_ =	shalt  }
0x7f: {  	_ =	shalt  }
0x80: {  	_ =	shalt  }
0x81: {  	_ =	shalt  }
0x82: {  	_ =	shalt  }
0x83: {  	_ =	shalt  }
0x84: {  	_ =	shalt  }
0x85: {  	_ =	shalt  }
0x86: {  	_ =	shalt  }
0x87: {  	_ =	shalt  }
.Lfunc_end0:
.L_simem_size_0:
called_computation.1_lowered:
.L_overlay_start_0:
0x88: {  	s2 =	sld [smem:$0x3FD9]  }
0x89: {  	s3 =	sld [smem:$0x3FFE];
	_ =	sdelay $0x1  }
0x8a: {  	s1 =	srdreg.scid  }
0x8b: {  	s0 =	sand.u32 $0x1, s1  }
0x8c: {  	s17 =	sshll.u32 s0, $0xA;
	s2 =	sadd.s32 s3, s2  }
0x8d: {  	s2 =	sadd.s32 s2, s17  }
0x8e: {  	[smem:$0x3FC6] =	sst s2  }
0x8f: {  	_ = 	snop  }
0x90: {  	s2 =	sld [smem:$0x3FD0];
	(tm) =	ssettm $0x1  }
0x91: {  	s18 =	sld [smem:$0x3FFB];
	_ =	sdelay $0x3  }
0x92: {  	_ =	strace s18  }
0x93: {  	s3 =	sld [smem:$0x3FFC];
	_ =	sdelay $0x3  }
0x94: {  	_ =	strace s3  }
0x95: {  	s3 =	sld [smem:$0x3FFD];
	_ =	sdelay $0x3  }
0x96: {  	_ =	strace s3  }
0x97: {  	_ =	strace $0x8FFFFFFF  }
0x98: {  	s19 =	sld [smem:$0x3FDB];
	_ =	sdelay $0x1  }
0x99: {  	s4 =	simm.s32 $_scs_section_size  }
0x9a: {  	s5 =	simm.s32 $_size__tile_overlayer_lowered;
	s6 =	simm.s32 $_tile_overlayer_lowered  }
0x9b: {  	s22 =	simm.s32 $0x1BFF;
	s21 =	sshll.u32 s6, $0x1;
	s3 =	sadd.s32 s4, s19  }
0x9c: {  	s7 =	simm.s32 $0x0;
	s20 =	sshll.u32 s5, $0x1;
	s5 =	sadd.s32 s21, s3  }
0x9d: {  	[timem:s7], [sflag:s22] =	dma.local [hbm:s5], s20  }
0x9e: {  	_ =	swait.ge [sflag:s22], s20  }
0x9f: {  	s4 =	ssub.s32 $0x0, s20;
	[sflag:s22] =	ssyncset.done $0x0  }
0xa0: {  	[sflag:s22] =	ssyncadd.s32 s4;
	_ =	sdelay $0x1  }
0xa1: {  	s23 =	simm.s32 $0x1B8B  }
0xa2: {  	_ =	swait.ge [sflag:s23], $0x1  }
0xa3: {  	[sflag:s23] =	ssyncset.done $0x0  }
0xa4: {  	s25 =	simm.s32 $0x1B8E;
	s24 =	sld [smem:$0x3FFE];
	[sflag:s23] =	ssyncadd.s32 $0xFFFFFFFF  }
0xa5: {  	s26 =	simm.s32 $execute0_lowered;
	[smem:$0x3FD2] =	sst s25  }
0xa6: {  	s5 =	sshll.u32 s26, $0x1;
	_ =	strace $0x80000049;
	[dreg:$0x1] =	wrdreg $0xFFFFFFFF  }
0xa7: {  	s28 =	simm.s32 $_size_execute0_lowered;
	s3 =	sadd.s32 s3, s5;
	[dreg:$0x0] =	wrdreg $0x0  }
0xa8: {  	s5 =	sshll.u32 s28, $0x1;
	[dreg:$0x2] =	wrdreg s3  }
0xa9: {  	[dreg:$0x3] =	wrdreg s5  }
0xaa: {  	[dreg:$0x4] =	wrdreg $0xC0  }
0xab: {  	_ =	task [dreg:s7], $0x5FFFF  }
0xac: {  	[dreg:$0x1] =	wrdreg $0xFFFFFFFF  }
0xad: {  	[dreg:$0x0] =	wrdreg $0x60  }
0xae: {  	[dreg:$0x2] =	wrdreg s2  }
0xaf: {  	[dreg:$0x3] =	wrdreg s24  }
0xb0: {  	[dreg:$0x4] =	wrdreg $0x9  }
0xb1: {  	_ =	task.clear_ibuf [dreg:s7], $0x5FFFF;
	_ =	strace $0x90000049  }
0xb2: {  	s29 =	simm.s32 $0x9;
	_ =	strace $0x8000004B  }
0xb3: {  	_ =	swait.ge [sflag:s29], $0x1  }
0xb4: {  	[sflag:s29] =	ssyncadd.s32 $0xFFFFFFFF  }
0xb5: {  	_ =	strace $0x9000004B  }
0xb6: {  	_ =	sfence  }
0xb7: {  	s30 =	sld [smem:$0x0];
	_ =	sdelay $0x2  }
0xb8: {  	s31 =	sshll.u32 s1, $0xD;
	s1 =	sshrl.u32 s1, $0x2  }
0xb9: {  	s3 =	sand.u32 $0x4000, s31;
	s1 =	sadd.s32 s1, s30  }
0xba: {  	s0 =	sor.u32 s3, s0;
	s1 =	sshll.u32 s1, $0x11  }
0xbb: {  	s0 =	sor.u32 s1, s0  }
0xbc: {  	s0 =	sadd.s32 $0x8F2B, s0  }
0xbd: {  	[sflag:s0] =	ssyncadd.remote.s32 $0x1  }
0xbe: {  	_ =	sfence.sel $0xFFFF  }
0xbf: {  	[dreg:$0x0] =	wrdreg $0xFFFFFFFF;
	(pc) =	sbr.abs _section_cstart, $3  }
0xc0: {  	[dreg:$0x1] =	wrdreg $0xFFFFFFFF  }
0xc1: {  	_ =	task.clear_ibuf [dreg:s7], $0x2FFFF;
	_ =	strace $0x9FFFFFFF  }
0xc2: {  	(tm) =	ssettm $0x7FFFFFFF  }
0xc3: {  	_ =	shalt  }
tec
execute0_lowered:
.L_overlay_start_1:
0x0: {  	(tag) =	ssettag $0x1  }
0x1: {  	vm13 =	vcmask $0x300;
	v0 =	vimm.s32 $0x1E07  }
0x2: {  	vm14 =	vcmask $0x704;
	vm12 =	vcmask $0xB08;
	vm11 =	vcmask $0xF0C  }
0x3: {  	vm10 =	vcmask $0x1310;
	vm9 =	vcmask $0x1714;
	vm8 =	vcmask $0x1B18  }
0x4: {  	vm7 =	vcmask $0x1F1C;
	vm6 =	vcmask $0x2320;
	vm5 =	vcmask $0x2724  }
0x5: {  	vm3 =	vcmask $0x2B28;
	v1 =	vimm.s32 $0x7;
	vm2 =	vcmask $0x2F2C  }
0x6: {  	vm1 =	vcmask $0x3330;
	vm0 =	vcmask $0x3734;
	v3 =	vimm.s32 $0xFEDCBA9  }
0x7: {  	v4 =	vimm.s32 $0x87654321;
	vm4 =	vcmask $0x3B38;
	v6 =	vimm.s32 $0x98765432  }
0x8: {  	v7 =	vimm.s32 $0x407;
	v8 =	vimm.s32 $0x607;
	v9 =	vimm.s32 $0xA9876543  }
0x9: {  	v12 =	vimm.s32 $0xA07;
	v13 =	vimm.s32 $0xCBA98765;
	v0 =	vsel vm13, $0x0, v0  }
0xa: {  	v14 =	vimm.s32 $0xDCBA9876;
	v26 =	vimm.s32 $0x76543210;
	v0 =	vsel vm14, $0x201, v0  }
0xb: {  	v33 =	vimm.s32 $0x1207;
	v62 =	vimm.s32 $0x1807;
	v0 =	vsel vm12, $0x402, v0  }
0xc: {  	v1 =	vsel vm13, $0x200, v1;
	v3 =	vunpack.c.l.s4.s8 v3;
	v0 =	vsel vm11, $0x603, v0  }
0xd: {  	v4 =	vunpack.c.l.s4.s8 v4;
	v1 =	vsel vm14, $0x401, v1;
	v0 =	vsel vm10, $0x804, v0  }
0xe: {  	v6 =	vunpack.c.l.s4.s8 v6;
	v1 =	vsel vm12, $0x602, v1;
	v0 =	vsel vm9, $0xA05, v0  }
0xf: {  	v16 =	vunpack.c.0.s8.s32 v3;
	v3 =	vimm.s32 $0x207;
	v0 =	vsel vm8, $0xC06, v0  }
0x10: {  	v17 =	vunpack.c.0.s8.s32 v4;
	v1 =	vsel vm11, $0x803, v1;
	v0 =	vsel vm7, $0xE07, v0  }
0x11: {  	v3 =	vsel vm13, $0x400, v3;
	v1 =	vsel vm10, $0xA04, v1;
	v0 =	vsel vm6, $0x1000, v0  }
0x12: {  	v3 =	vsel vm14, $0x601, v3;
	v1 =	vsel vm9, $0xC05, v1;
	v0 =	vsel vm5, $0x1201, v0  }
0x13: {  	v4 =	vcombine.low v17, v16;
	v1 =	vsel vm8, $0xE06, v1;
	v0 =	vsel vm3, $0x1402, v0  }
0x14: {  	v3 =	vsel vm12, $0x802, v3;
	v1 =	vsel vm7, $0x1007, v1;
	v2 =	vsel vm2, $0x1603, v0  }
0x15: {  	v3 =	vsel vm11, $0xA03, v3;
	v1 =	vsel vm6, $0x1200, v1;
	v2 =	vsel vm1, $0x1804, v2  }
0x16: {  	v3 =	vsel vm10, $0xC04, v3;
	v5 =	vsel vm5, $0x1401, v1;
	v2 =	vsel vm0, $0x1A05, v2  }
0x17: {  	v3 =	vsel vm9, $0xE05, v3;
	v5 =	vsel vm3, $0x1602, v5;
	v1 =	vsel vm4, $0x1C06, v2  }
0x18: {  	v2 =	vand.u32 $0xF, v4;
	v4 =	vsel vm2, $0x1803, v5;
	v5 =	vimm.s32 $0x10FEDCBA  }
0x19: {  	v8 =	vsel vm13, $0x800, v8;
	v3 =	vsel vm8, $0x1006, v3;
	v5 =	vunpack.c.l.s4.s8 v5  }
0x1a: {  	v9 =	vunpack.c.l.s4.s8 v9;
	v19 =	vunpack.c.0.s8.s32 v6;
	v3 =	vsel vm7, $0x1207, v3  }
0x1b: {  	v3 =	vsel vm6, $0x1400, v3;
	v18 =	vunpack.c.0.s8.s32 v5;
	v5 =	vsel vm13, $0x600, v7  }
0x1c: {  	v3 =	vsel vm5, $0x1601, v3;
	v4 =	vsel vm1, $0x1A04, v4;
	v5 =	vsel vm14, $0x801, v5  }
0x1d: {  	v3 =	vsel vm3, $0x1802, v3;
	v4 =	vsel vm0, $0x1C05, v4;
	v5 =	vsel vm12, $0xA02, v5  }
0x1e: {  	v7 =	vsel vm2, $0x1A03, v3;
	v6 =	vcombine.low v19, v18;
	v5 =	vsel vm11, $0xC03, v5  }
0x1f: {  	v3 =	vsel vm4, $0x1E06, v4;
	v7 =	vsel vm1, $0x1C04, v7;
	v5 =	vsel vm10, $0xE04, v5  }
0x20: {  	v4 =	vand.u32 $0xF, v6;
	v6 =	vsel vm0, $0x1E05, v7;
	v7 =	vsel vm9, $0x1005, v5  }
0x21: {  	v12 =	vsel vm13, $0xC00, v12;
	v13 =	vunpack.c.l.s4.s8 v13;
	v7 =	vsel vm8, $0x1206, v7  }
0x22: {  	v5 =	vsel vm4, $0x6, v6;
	v6 =	vimm.s32 $0x210FEDCB;
	v7 =	vsel vm7, $0x1407, v7  }
0x23: {  	v14 =	vunpack.c.l.s4.s8 v14;
	v6 =	vunpack.c.l.s4.s8 v6;
	v7 =	vsel vm6, $0x1600, v7  }
0x24: {  	v26 =	vunpack.c.l.s4.s8 v26;
	v8 =	vsel vm14, $0xA01, v8;
	v7 =	vsel vm5, $0x1801, v7  }
0x25: {  	v20 =	vunpack.c.0.s8.s32 v6;
	v6 =	vsel vm3, $0x1A02, v7;
	v7 =	vsel vm12, $0xC02, v8  }
0x26: {  	v21 =	vunpack.c.0.s8.s32 v9;
	v9 =	vimm.s32 $0xBA987654;
	v7 =	vsel vm11, $0xE03, v7  }
0x27: {  	v9 =	vunpack.c.l.s4.s8 v9;
	v8 =	vimm.s32 $0x3210FEDC;
	v7 =	vsel vm10, $0x1004, v7  }
0x28: {  	v6 =	vsel vm2, $0x1C03, v6;
	v8 =	vunpack.c.l.s4.s8 v8;
	v7 =	vsel vm9, $0x1205, v7  }
0x29: {  	v23 =	vunpack.c.0.s8.s32 v9;
	v11 =	vsel vm1, $0x1E04, v6;
	v6 =	vsel vm8, $0x1406, v7  }
0x2a: {  	v10 =	vcombine.low v21, v20;
	v22 =	vunpack.c.0.s8.s32 v8;
	v7 =	vsel vm7, $0x1607, v6  }
0x2b: {  	v8 =	vsel vm0, $0x5, v11;
	v11 =	vimm.s32 $0x807;
	v7 =	vsel vm6, $0x1800, v7  }
0x2c: {  	v6 =	vand.u32 $0xF, v10;
	v9 =	vcombine.low v23, v22;
	v10 =	vsel vm5, $0x1A01, v7  }
0x2d: {  	v11 =	vsel vm13, $0xA00, v11;
	v7 =	vsel vm4, $0x206, v8;
	v10 =	vsel vm3, $0x1C02, v10  }
0x2e: {  	v8 =	vand.u32 $0xF, v9;
	v9 =	vsel vm2, $0x1E03, v10;
	v10 =	vsel vm14, $0xC01, v11  }
0x2f: {  	v28 =	vunpack.c.0.s8.s32 v14;
	v11 =	vimm.s32 $0x43210FED;
	v10 =	vsel vm12, $0xE02, v10  }
0x30: {  	v14 =	vimm.s32 $0xEDCBA987;
	v11 =	vunpack.c.l.s4.s8 v11;
	v10 =	vsel vm11, $0x1003, v10  }
0x31: {  	v12 =	vsel vm14, $0xE01, v12;
	v14 =	vunpack.c.l.s4.s8 v14;
	v10 =	vsel vm10, $0x1204, v10  }
0x32: {  	v24 =	vunpack.c.0.s8.s32 v11;
	v11 =	vsel vm12, $0x1002, v12;
	v10 =	vsel vm9, $0x1405, v10  }
0x33: {  	v25 =	vunpack.c.0.s8.s32 v13;
	v11 =	vsel vm11, $0x1203, v11;
	v10 =	vsel vm8, $0x1606, v10  }
0x34: {  	v32 =	vunpack.c.0.s8.s32 v14;
	v11 =	vsel vm10, $0x1404, v11;
	v10 =	vsel vm7, $0x1807, v10  }
0x35: {  	v0 =	vlaneseq.u32;
	v11 =	vsel vm9, $0x1605, v11;
	v10 =	vsel vm6, $0x1A00, v10  }
0x36: {  	v12 =	vcombine.low v25, v24;
	v11 =	vsel vm8, $0x1806, v11;
	v10 =	vsel vm5, $0x1C01, v10  }
0x37: {  	v9 =	vsel vm1, $0x4, v9;
	v11 =	vsel vm7, $0x1A07, v11;
	v13 =	vsel vm3, $0x1E02, v10  }
0x38: {  	v10 =	vand.u32 $0xF, v12;
	v12 =	vsel vm2, $0x3, v13;
	v13 =	vimm.s32 $0x543210FE  }
0x39: {  	v11 =	vsel vm6, $0x1C00, v11;
	v12 =	vsel vm1, $0x204, v12;
	v13 =	vunpack.c.l.s4.s8 v13  }
0x3a: {  	v9 =	vsel vm0, $0x205, v9;
	v11 =	vsel vm5, $0x1E01, v11;
	v12 =	vsel vm0, $0x405, v12  }
0x3b: {  	v15 =	vsel vm3, $0x2, v11;
	v11 =	vsel vm4, $0x606, v12;
	v27 =	vunpack.c.0.s8.s32 v13  }
0x3c: {  	v12 =	vsel vm2, $0x203, v15;
	v13 =	vimm.s32 $0x6543210F;
	v15 =	vimm.s32 $0xFEDCBA98  }
0x3d: {  	v12 =	vsel vm1, $0x404, v12;
	v13 =	vunpack.c.l.s4.s8 v13;
	v15 =	vunpack.c.l.s4.s8 v15  }
0x3e: {  	v9 =	vsel vm4, $0x406, v9;
	v29 =	vcombine.low v28, v27;
	v30 =	vsel vm0, $0x605, v12  }
0x3f: {  	v28 =	vcombine.low v27, v28;
	v31 =	vunpack.c.0.s8.s32 v13;
	v14 =	vunpack.c.0.s8.s32 v15  }
0x40: {  	v13 =	vsel vm4, $0x806, v30;
	v15 =	vunpack.c.0.s8.s32 v26;
	v12 =	vand.u32 $0xF, v29  }
0x41: {  	v29 =	vimm.s32 $0xC07;
	v26 =	vcombine.low v32, v31;
	v14 =	vand.u32 $0xF, v14  }
0x42: {  	v30 =	vimm.s32 $0xE07;
	v29 =	vsel vm13, $0xE00, v29;
	v14 =	vcombine.low v14, v15  }
0x43: {  	v15 =	vand.u32 $0xF, v26;
	v26 =	vsel vm14, $0x1001, v29;
	v29 =	vsel vm13, $0x1000, v30  }
0x44: {  	v27 =	vimm.s32 $0x1A07;
	v30 =	vcombine.low v16, v17;
	v29 =	vsel vm14, $0x1201, v29  }
0x45: {  	v16 =	vimm.s32 $0x1007;
	v17 =	vsel vm12, $0x1202, v26;
	v26 =	vsel vm12, $0x1402, v29  }
0x46: {  	v16 =	vsel vm13, $0x1200, v16;
	v17 =	vsel vm11, $0x1403, v17;
	v26 =	vsel vm11, $0x1603, v26  }
0x47: {  	v16 =	vsel vm14, $0x1401, v16;
	v17 =	vsel vm10, $0x1604, v17;
	v26 =	vsel vm10, $0x1804, v26  }
0x48: {  	v16 =	vsel vm12, $0x1602, v16;
	v17 =	vsel vm9, $0x1805, v17;
	v26 =	vsel vm9, $0x1A05, v26  }
0x49: {  	v16 =	vsel vm11, $0x1803, v16;
	v17 =	vsel vm8, $0x1A06, v17;
	v26 =	vsel vm8, $0x1C06, v26  }
0x4a: {  	v16 =	vsel vm10, $0x1A04, v16;
	v17 =	vsel vm7, $0x1C07, v17;
	v26 =	vsel vm7, $0x1E07, v26  }
0x4b: {  	v16 =	vsel vm9, $0x1C05, v16;
	v17 =	vsel vm6, $0x1E00, v17;
	v26 =	vsel vm6, $0x0, v26  }
0x4c: {  	v16 =	vsel vm8, $0x1E06, v16;
	v17 =	vsel vm5, $0x1, v17;
	v26 =	vsel vm5, $0x201, v26  }
0x4d: {  	v16 =	vsel vm7, $0x7, v16;
	v17 =	vsel vm3, $0x202, v17;
	v26 =	vsel vm3, $0x402, v26  }
0x4e: {  	v16 =	vsel vm6, $0x200, v16;
	v17 =	vsel vm2, $0x403, v17;
	v26 =	vsel vm2, $0x603, v26  }
0x4f: {  	v16 =	vsel vm5, $0x401, v16;
	v17 =	vsel vm1, $0x604, v17;
	v26 =	vsel vm1, $0x804, v26  }
0x50: {  	v16 =	vsel vm3, $0x602, v16;
	v17 =	vsel vm0, $0x805, v17;
	v26 =	vsel vm0, $0xA05, v26  }
0x51: {  	v29 =	vsel vm2, $0x803, v16;
	v16 =	vsel vm4, $0xA06, v17;
	v17 =	vsel vm4, $0xC06, v26  }
0x52: {  	v26 =	vsel vm1, $0xA04, v29;
	v29 =	vcombine.low v18, v19;
	v18 =	vand.u32 $0xF, v30  }
0x53: {  	v30 =	vcombine.low v20, v21;
	v21 =	vimm.s32 $0x1407;
	v26 =	vsel vm0, $0xC05, v26  }
0x54: {  	v21 =	vsel vm13, $0x1600, v21;
	v19 =	vsel vm4, $0xE06, v26;
	v26 =	vsel vm13, $0x1400, v33  }
0x55: {  	v20 =	vand.u32 $0xF, v29;
	v21 =	vsel vm14, $0x1801, v21;
	v26 =	vsel vm14, $0x1601, v26  }
0x56: {  	v29 =	vcombine.low v22, v23;
	v22 =	vimm.s32 $0x1607;
	v26 =	vsel vm12, $0x1802, v26  }
0x57: {  	v21 =	vsel vm12, $0x1A02, v21;
	v22 =	vsel vm13, $0x1800, v22;
	v23 =	vsel vm11, $0x1A03, v26  }
0x58: {  	v21 =	vsel vm11, $0x1C03, v21;
	v22 =	vsel vm14, $0x1A01, v22;
	v23 =	vsel vm10, $0x1C04, v23  }
0x59: {  	v21 =	vsel vm10, $0x1E04, v21;
	v22 =	vsel vm12, $0x1C02, v22;
	v23 =	vsel vm9, $0x1E05, v23  }
0x5a: {  	v21 =	vsel vm9, $0x5, v21;
	v22 =	vsel vm11, $0x1E03, v22;
	v23 =	vsel vm8, $0x6, v23  }
0x5b: {  	v21 =	vsel vm8, $0x206, v21;
	v22 =	vsel vm10, $0x4, v22;
	v23 =	vsel vm7, $0x207, v23  }
0x5c: {  	v21 =	vsel vm7, $0x407, v21;
	v22 =	vsel vm9, $0x205, v22;
	v23 =	vsel vm6, $0x400, v23  }
0x5d: {  	v21 =	vsel vm6, $0x600, v21;
	v22 =	vsel vm8, $0x406, v22;
	v23 =	vsel vm5, $0x601, v23  }
0x5e: {  	v21 =	vsel vm5, $0x801, v21;
	v22 =	vsel vm7, $0x607, v22;
	v23 =	vsel vm3, $0x802, v23  }
0x5f: {  	v21 =	vsel vm3, $0xA02, v21;
	v22 =	vsel vm6, $0x800, v22;
	v23 =	vsel vm2, $0xA03, v23  }
0x60: {  	v21 =	vsel vm2, $0xC03, v21;
	v22 =	vsel vm5, $0xA01, v22;
	v23 =	vsel vm1, $0xC04, v23  }
0x61: {  	v26 =	vsel vm1, $0xE04, v21;
	v22 =	vsel vm3, $0xC02, v22;
	v23 =	vsel vm0, $0xE05, v23  }
0x62: {  	v21 =	vsel vm4, $0x1006, v23;
	v23 =	vsel vm0, $0x1005, v26;
	v26 =	vsel vm2, $0xE03, v22  }
0x63: {  	v22 =	vand.u32 $0xF, v30;
	v30 =	vcombine.low v24, v25;
	v26 =	vsel vm1, $0x1004, v26  }
0x64: {  	v24 =	vand.u32 $0xF, v29;
	v29 =	vsel vm13, $0x1A00, v62;
	v26 =	vsel vm0, $0x1205, v26  }
0x65: {  	v27 =	vsel vm13, $0x1C00, v27;
	v29 =	vsel vm14, $0x1C01, v29;
	v25 =	vsel vm4, $0x1406, v26  }
0x66: {  	v26 =	vand.u32 $0xF, v30;
	v30 =	vcombine.low v31, v32;
	v31 =	vimm.s32 $0x1C07  }
0x67: {  	v27 =	vsel vm14, $0x1E01, v27;
	v29 =	vsel vm12, $0x1E02, v29;
	v31 =	vsel vm13, $0x1E00, v31  }
0x68: {  	v28 =	vand.u32 $0xF, v28;
	v29 =	vsel vm11, $0x3, v29;
	v31 =	vsel vm14, $0x1, v31  }
0x69: {  	v27 =	vsel vm12, $0x2, v27;
	v29 =	vsel vm10, $0x204, v29;
	v31 =	vsel vm12, $0x202, v31  }
0x6a: {  	v27 =	vsel vm11, $0x203, v27;
	v29 =	vsel vm9, $0x405, v29;
	v31 =	vsel vm11, $0x403, v31  }
0x6b: {  	v27 =	vsel vm10, $0x404, v27;
	v29 =	vsel vm8, $0x606, v29;
	v31 =	vsel vm10, $0x604, v31  }
0x6c: {  	s0 =	rddreg [dreg:$0x0];
	v27 =	vsel vm9, $0x605, v27;
	v29 =	vsel vm7, $0x807, v29;
	v31 =	vsel vm9, $0x805, v31  }
0x6d: {  	s5 =	rddreg [dreg:$0x1];
	v27 =	vsel vm8, $0x806, v27;
	v29 =	vsel vm6, $0xA00, v29;
	v31 =	vsel vm8, $0xA06, v31  }
0x6e: {  	s1 =	rddreg [dreg:$0x2];
	v27 =	vsel vm7, $0xA07, v27;
	v29 =	vsel vm5, $0xC01, v29;
	v31 =	vsel vm7, $0xC07, v31  }
0x6f: {  	s2 =	simm.s32 $0x0;
	s3 =	srdreg.scid;
	s10 =	simm.s32 $0x1;
	v27 =	vsel vm6, $0xC00, v27;
	v29 =	vsel vm3, $0xE02, v29;
	v31 =	vsel vm6, $0xE00, v31  }
0x70: {  	s11 =	simm.s32 $0x2200;
	s12 =	simm.s32 $0x4000;
	s15 =	simm.s32 $0x0;
	v27 =	vsel vm5, $0xE01, v27;
	v29 =	vsel vm2, $0x1003, v29;
	v31 =	vsel vm5, $0x1001, v31  }
0x71: {  	[smem:$0x7FF] =	sst s2;
	s6 =	sand.u32 $0x1, s3;
	s4 =	sadd.s32 $0xC00, s5;
	v27 =	vsel vm3, $0x1002, v27;
	v29 =	vsel vm1, $0x1204, v29;
	v31 =	vsel vm3, $0x1202, v31  }
0x72: {  	s3 =	stileid.u32;
	s5 =	sadd.s32 $0x4F6600, s5;
	s7 =	ssub.s32 $0x2, s6;
	v63 =	vsel vm2, $0x1203, v27;
	v29 =	vsel vm0, $0x1405, v29;
	v31 =	vsel vm2, $0x1403, v31  }
0x73: {  	s9 =	sshll.u32 s3, $0xA;
	s6 =	sshll.u32 s6, $0x9;
	s8 =	sshrl.u32 s7, $0x1;
	v27 =	vsel vm4, $0x1606, v29;
	v29 =	vsel vm1, $0x1404, v63;
	v31 =	vsel vm1, $0x1604, v31  }
0x74: {  	_ =	strace $0x8000004A;
	s6 =	sor.u32 s6, s9;
	s7 =	ssub.s32 s7, s8;
	v23 =	vsel vm4, $0x1206, v23;
	v29 =	vsel vm0, $0x1605, v29;
	v31 =	vsel vm0, $0x1805, v31  }
0x75: {  	s9 =	simm.s32 $0x200;
	s8 =	simm.s32 $0x2;
	s7 =	smax.u32 s7, $0x1;
	v30 =	vand.u32 $0xF, v30;
	v29 =	vsel vm4, $0x1806, v29;
	v31 =	vsel vm4, $0x1A06, v31  }
.LBB2_1:
0x76: {  	s13 =	simm.s32 $0x0  }
.LBB2_2:
0x77: {  	s14 =	sshll.u32 s13, $0xE  }
0x78: {  	s14 =	sor.u32 s6, s14  }
0x79: {  	s14 =	sshrl.u32 s14, $0x3  }
0x7a: {  	s14 =	sadd.s32 s0, s14  }
0x7b: {  	[tilespmem:s15], [sflag:$0x2] =	stream.linear.gather [hbm4b:s14+s15], $0x200, $0x38;
	[tilespmem:$0x4200] =	vst v63  }
0x7c: {  	v32 =	vor.u32 s15, v0;
	_ =	swait.ge [sflag:s8], $0x200  }
0x7d: {  	v33 =	vshll.u32 v32, $0x4;
	[sflag:s8] =	ssyncset.done $0x0  }
0x7e: {  	v34 =	vor.u32 v0, v33;
	[sflag:s8] =	ssyncadd.s32 $0xFFFFFE00  }
0x7f: {  	[tilespmem:s9], [sflag:$0x1] =	stream.indirect.gather [hbm4b:s4+s9], $0x10, s15, s9, $0xb8;
	[tilespmem:$0x4200] =	vst v63  }
0x80: {  	_ =	swait.ge [sflag:s10], $0x2000  }
0x81: {  	[sflag:s10] =	ssyncset.done $0x0  }
0x82: {  	v32 =	vand.u32 $0x1F8, v32;
	[sflag:s10] =	ssyncadd.s32 $0xFFFFE000  }
0x83: {  	v35 =	vor.u32 v1, v32;
	v34 =	vld.idx.msk [tilespmem:v34+s9+$0x0], $0xffff  }
0x84: {  	v36 =	vor.u32 v2, v33;
	_ =	sdelay $0x3  }
0x85: {  	[tilespmem:v35+s11+$0x0] =	vst.idx.msk $0xffff, v34  }
0x86: {  	v61 =	vor.u32 v3, v32;
	v34 =	vld.idx.msk [tilespmem:v36+s9+$0x0], $0xffff  }
0x87: {  	v62 =	vor.u32 v4, v33;
	_ =	sdelay $0x3  }
0x88: {  	[tilespmem:v61+s11+$0x0] =	vst.idx.msk $0xffff, v34  }
0x89: {  	v63 =	vor.u32 v5, v32;
	v34 =	vld.idx.msk [tilespmem:v62+s9+$0x0], $0xffff  }
0x8a: {  	v40 =	vor.u32 v6, v33;
	_ =	sdelay $0x3  }
0x8b: {  	[tilespmem:v63+s11+$0x0] =	vst.idx.msk $0xffff, v34  }
0x8c: {  	v41 =	vor.u32 v7, v32;
	v34 =	vld.idx.msk [tilespmem:v40+s9+$0x0], $0xffff  }
0x8d: {  	v42 =	vor.u32 v8, v33;
	_ =	sdelay $0x3  }
0x8e: {  	[tilespmem:v41+s11+$0x0] =	vst.idx.msk $0xffff, v34  }
0x8f: {  	v43 =	vor.u32 v9, v32;
	v34 =	vld.idx.msk [tilespmem:v42+s9+$0x0], $0xffff  }
0x90: {  	v44 =	vor.u32 v10, v33;
	_ =	sdelay $0x3  }
0x91: {  	[tilespmem:v43+s11+$0x0] =	vst.idx.msk $0xffff, v34  }
0x92: {  	v45 =	vor.u32 v11, v32;
	v34 =	vld.idx.msk [tilespmem:v44+s9+$0x0], $0xffff  }
0x93: {  	v46 =	vor.u32 v12, v33;
	_ =	sdelay $0x3  }
0x94: {  	[tilespmem:v45+s11+$0x0] =	vst.idx.msk $0xffff, v34  }
0x95: {  	v47 =	vor.u32 v13, v32;
	v34 =	vld.idx.msk [tilespmem:v46+s9+$0x0], $0xffff  }
0x96: {  	v48 =	vor.u32 v15, v33;
	_ =	sdelay $0x3  }
0x97: {  	[tilespmem:v47+s11+$0x0] =	vst.idx.msk $0xffff, v34  }
0x98: {  	v49 =	vor.u32 v16, v32;
	v34 =	vld.idx.msk [tilespmem:v48+s9+$0x0], $0xffff  }
0x99: {  	v50 =	vor.u32 v14, v33;
	_ =	sdelay $0x3  }
0x9a: {  	[tilespmem:v49+s11+$0x0] =	vst.idx.msk $0xffff, v34  }
0x9b: {  	v51 =	vor.u32 v17, v32;
	v34 =	vld.idx.msk [tilespmem:v50+s9+$0x0], $0xffff  }
0x9c: {  	v52 =	vor.u32 v18, v33;
	_ =	sdelay $0x3  }
0x9d: {  	[tilespmem:v51+s11+$0x0] =	vst.idx.msk $0xffff, v34  }
0x9e: {  	v53 =	vor.u32 v19, v32;
	v34 =	vld.idx.msk [tilespmem:v52+s9+$0x0], $0xffff  }
0x9f: {  	v54 =	vor.u32 v20, v33;
	_ =	sdelay $0x3  }
0xa0: {  	[tilespmem:v53+s11+$0x0] =	vst.idx.msk $0xffff, v34  }
0xa1: {  	v55 =	vor.u32 v21, v32;
	v34 =	vld.idx.msk [tilespmem:v54+s9+$0x0], $0xffff  }
0xa2: {  	v56 =	vor.u32 v22, v33;
	_ =	sdelay $0x3  }
0xa3: {  	[tilespmem:v55+s11+$0x0] =	vst.idx.msk $0xffff, v34  }
0xa4: {  	v57 =	vor.u32 v23, v32;
	v34 =	vld.idx.msk [tilespmem:v56+s9+$0x0], $0xffff  }
0xa5: {  	v58 =	vor.u32 v24, v33;
	_ =	sdelay $0x3  }
0xa6: {  	[tilespmem:v57+s11+$0x0] =	vst.idx.msk $0xffff, v34  }
0xa7: {  	v59 =	vor.u32 v25, v32;
	v34 =	vld.idx.msk [tilespmem:v58+s9+$0x0], $0xffff  }
0xa8: {  	v60 =	vor.u32 v26, v33;
	_ =	sdelay $0x3  }
0xa9: {  	[tilespmem:v59+s11+$0x0] =	vst.idx.msk $0xffff, v34  }
0xaa: {  	v61 =	vor.u32 v27, v32;
	v34 =	vld.idx.msk [tilespmem:v60+s9+$0x0], $0xffff  }
0xab: {  	v62 =	vor.u32 v28, v33;
	_ =	sdelay $0x3  }
0xac: {  	[tilespmem:v61+s11+$0x0] =	vst.idx.msk $0xffff, v34  }
0xad: {  	v63 =	vor.u32 v29, v32;
	v34 =	vld.idx.msk [tilespmem:v62+s9+$0x0], $0xffff  }
0xae: {  	v33 =	vor.u32 v30, v33;
	_ =	sdelay $0x3  }
0xaf: {  	s31 =	simm.s32 $0x10;
	[tilespmem:v63+s11+$0x0] =	vst.idx.msk $0xffff, v34  }
0xb0: {  	s14 =	simm.s32 $0x20;
	v34 =	vor.u32 s31, v0;
	v35 =	vld.idx.msk [tilespmem:v33+s9+$0x0], $0xffff  }
.LBB2_3:
0xb1: {  	p0 =	sne.s32 s14, $0x1F0;
	v33 =	vshll.u32 v34, $0x4;
	v32 =	vor.u32 v31, v32  }
0xb2: {  	v36 =	vor.u32 v0, v33;
	_ =	sdelay $0x3  }
0xb3: {  	[tilespmem:v32+s11+$0x0] =	vst.idx.msk $0xffff, v35  }
0xb4: {  	v32 =	vand.u32 $0x1F8, v34;
	v35 =	vld.idx.msk [tilespmem:v36+s9+$0x0], $0xffff  }
0xb5: {  	v34 =	vor.u32 v1, v32  }
0xb6: {  	v36 =	vor.u32 v2, v33;
	_ =	sdelay $0x3  }
0xb7: {  	[tilespmem:v34+s11+$0x0] =	vst.idx.msk $0xffff, v35  }
0xb8: {  	v34 =	vld.idx.msk [tilespmem:v36+s9+$0x0], $0xffff  }
0xb9: {  	v35 =	vor.u32 v3, v32  }
0xba: {  	v36 =	vor.u32 v4, v33;
	_ =	sdelay $0x3  }
0xbb: {  	[tilespmem:v35+s11+$0x0] =	vst.idx.msk $0xffff, v34  }
0xbc: {  	v34 =	vld.idx.msk [tilespmem:v36+s9+$0x0], $0xffff  }
0xbd: {  	v35 =	vor.u32 v5, v32  }
0xbe: {  	v36 =	vor.u32 v6, v33;
	_ =	sdelay $0x3  }
0xbf: {  	[tilespmem:v35+s11+$0x0] =	vst.idx.msk $0xffff, v34  }
0xc0: {  	v34 =	vld.idx.msk [tilespmem:v36+s9+$0x0], $0xffff  }
0xc1: {  	v35 =	vor.u32 v7, v32  }
0xc2: {  	v36 =	vor.u32 v8, v33;
	_ =	sdelay $0x3  }
0xc3: {  	[tilespmem:v35+s11+$0x0] =	vst.idx.msk $0xffff, v34  }
0xc4: {  	v34 =	vld.idx.msk [tilespmem:v36+s9+$0x0], $0xffff  }
0xc5: {  	v35 =	vor.u32 v9, v32  }
0xc6: {  	v36 =	vor.u32 v10, v33;
	_ =	sdelay $0x3  }
0xc7: {  	[tilespmem:v35+s11+$0x0] =	vst.idx.msk $0xffff, v34  }
0xc8: {  	v34 =	vld.idx.msk [tilespmem:v36+s9+$0x0], $0xffff  }
0xc9: {  	v35 =	vor.u32 v11, v32  }
0xca: {  	v36 =	vor.u32 v12, v33;
	_ =	sdelay $0x3  }
0xcb: {  	[tilespmem:v35+s11+$0x0] =	vst.idx.msk $0xffff, v34  }
0xcc: {  	v34 =	vld.idx.msk [tilespmem:v36+s9+$0x0], $0xffff  }
0xcd: {  	v35 =	vor.u32 v13, v32  }
0xce: {  	v36 =	vor.u32 v15, v33;
	_ =	sdelay $0x3  }
0xcf: {  	[tilespmem:v35+s11+$0x0] =	vst.idx.msk $0xffff, v34  }
0xd0: {  	v34 =	vld.idx.msk [tilespmem:v36+s9+$0x0], $0xffff  }
0xd1: {  	v35 =	vor.u32 v16, v32  }
0xd2: {  	v36 =	vor.u32 v14, v33;
	_ =	sdelay $0x3  }
0xd3: {  	[tilespmem:v35+s11+$0x0] =	vst.idx.msk $0xffff, v34  }
0xd4: {  	v34 =	vld.idx.msk [tilespmem:v36+s9+$0x0], $0xffff  }
0xd5: {  	v35 =	vor.u32 v17, v32  }
0xd6: {  	v36 =	vor.u32 v18, v33;
	_ =	sdelay $0x3  }
0xd7: {  	[tilespmem:v35+s11+$0x0] =	vst.idx.msk $0xffff, v34  }
0xd8: {  	v34 =	vld.idx.msk [tilespmem:v36+s9+$0x0], $0xffff  }
0xd9: {  	v35 =	vor.u32 v19, v32  }
0xda: {  	v36 =	vor.u32 v20, v33;
	_ =	sdelay $0x3  }
0xdb: {  	[tilespmem:v35+s11+$0x0] =	vst.idx.msk $0xffff, v34  }
0xdc: {  	v34 =	vld.idx.msk [tilespmem:v36+s9+$0x0], $0xffff  }
0xdd: {  	v35 =	vor.u32 v21, v32  }
0xde: {  	v36 =	vor.u32 v22, v33;
	_ =	sdelay $0x3  }
0xdf: {  	[tilespmem:v35+s11+$0x0] =	vst.idx.msk $0xffff, v34  }
0xe0: {  	v34 =	vld.idx.msk [tilespmem:v36+s9+$0x0], $0xffff  }
0xe1: {  	v35 =	vor.u32 v23, v32  }
0xe2: {  	v36 =	vor.u32 v24, v33;
	_ =	sdelay $0x3  }
0xe3: {  	[tilespmem:v35+s11+$0x0] =	vst.idx.msk $0xffff, v34  }
0xe4: {  	v34 =	vld.idx.msk [tilespmem:v36+s9+$0x0], $0xffff  }
0xe5: {  	v35 =	vor.u32 v25, v32  }
0xe6: {  	v36 =	vor.u32 v26, v33;
	_ =	sdelay $0x3  }
0xe7: {  	[tilespmem:v35+s11+$0x0] =	vst.idx.msk $0xffff, v34  }
0xe8: {  	v34 =	vld.idx.msk [tilespmem:v36+s9+$0x0], $0xffff  }
0xe9: {  	v35 =	vor.u32 v27, v32  }
0xea: {  	v36 =	vor.u32 v28, v33;
	_ =	sdelay $0x3  }
0xeb: {  	[tilespmem:v35+s11+$0x0] =	vst.idx.msk $0xffff, v34  }
0xec: {  	v34 =	vld.idx.msk [tilespmem:v36+s9+$0x0], $0xffff  }
0xed: {  	v35 =	vor.u32 v29, v32  }
0xee: {  	v33 =	vor.u32 v30, v33  }
.Ltmp0:
0xef: {  	(pc) =	sbr.rel @p0 .LBB2_3-.Ltmp0, $3  }
0xf0: {  	_ =	sdelay $0x1  }
0xf1: {  	[tilespmem:v35+s11+$0x0] =	vst.idx.msk $0xffff, v34  }
0xf2: {  	v34 =	vor.u32 s14, v0;
	s14 =	sadd.s32 $0x10, s14;
	v35 =	vld.idx.msk [tilespmem:v33+s9+$0x0], $0xffff  }
0xf3: {  	v33 =	vshll.u32 v34, $0x4;
	v32 =	vor.u32 v31, v32  }
0xf4: {  	v36 =	vor.u32 v0, v33;
	_ =	sdelay $0x3  }
0xf5: {  	[tilespmem:v32+s11+$0x0] =	vst.idx.msk $0xffff, v35;
	v32 =	vand.u32 $0x1F8, v34  }
0xf6: {  	v58 =	vld.idx.msk [tilespmem:v36+s9+$0x0], $0xffff;
	v59 =	vor.u32 v1, v32  }
0xf7: {  	v60 =	vor.u32 v2, v33;
	_ =	sdelay $0x3  }
0xf8: {  	[tilespmem:v59+s11+$0x0] =	vst.idx.msk $0xffff, v58  }
0xf9: {  	v61 =	vor.u32 v3, v32;
	v34 =	vld.idx.msk [tilespmem:v60+s9+$0x0], $0xffff  }
0xfa: {  	v62 =	vor.u32 v4, v33;
	_ =	sdelay $0x3  }
0xfb: {  	[tilespmem:v61+s11+$0x0] =	vst.idx.msk $0xffff, v34  }
0xfc: {  	v63 =	vor.u32 v5, v32;
	v34 =	vld.idx.msk [tilespmem:v62+s9+$0x0], $0xffff  }
0xfd: {  	v40 =	vor.u32 v6, v33;
	_ =	sdelay $0x3  }
0xfe: {  	[tilespmem:v63+s11+$0x0] =	vst.idx.msk $0xffff, v34  }
0xff: {  	v41 =	vor.u32 v7, v32;
	v34 =	vld.idx.msk [tilespmem:v40+s9+$0x0], $0xffff  }
0x100: {  	v42 =	vor.u32 v8, v33;
	_ =	sdelay $0x3  }
0x101: {  	[tilespmem:v41+s11+$0x0] =	vst.idx.msk $0xffff, v34  }
0x102: {  	v43 =	vor.u32 v9, v32;
	v34 =	vld.idx.msk [tilespmem:v42+s9+$0x0], $0xffff  }
0x103: {  	v44 =	vor.u32 v10, v33;
	_ =	sdelay $0x3  }
0x104: {  	[tilespmem:v43+s11+$0x0] =	vst.idx.msk $0xffff, v34  }
0x105: {  	v45 =	vor.u32 v11, v32;
	v34 =	vld.idx.msk [tilespmem:v44+s9+$0x0], $0xffff  }
0x106: {  	v46 =	vor.u32 v12, v33;
	_ =	sdelay $0x3  }
0x107: {  	[tilespmem:v45+s11+$0x0] =	vst.idx.msk $0xffff, v34  }
0x108: {  	v47 =	vor.u32 v13, v32;
	v34 =	vld.idx.msk [tilespmem:v46+s9+$0x0], $0xffff  }
0x109: {  	v48 =	vor.u32 v15, v33;
	_ =	sdelay $0x3  }
0x10a: {  	[tilespmem:v47+s11+$0x0] =	vst.idx.msk $0xffff, v34  }
0x10b: {  	v49 =	vor.u32 v16, v32;
	v34 =	vld.idx.msk [tilespmem:v48+s9+$0x0], $0xffff  }
0x10c: {  	v50 =	vor.u32 v14, v33;
	_ =	sdelay $0x3  }
0x10d: {  	[tilespmem:v49+s11+$0x0] =	vst.idx.msk $0xffff, v34  }
0x10e: {  	v51 =	vor.u32 v17, v32;
	v34 =	vld.idx.msk [tilespmem:v50+s9+$0x0], $0xffff  }
0x10f: {  	v52 =	vor.u32 v18, v33;
	_ =	sdelay $0x3  }
0x110: {  	[tilespmem:v51+s11+$0x0] =	vst.idx.msk $0xffff, v34  }
0x111: {  	v53 =	vor.u32 v19, v32;
	v34 =	vld.idx.msk [tilespmem:v52+s9+$0x0], $0xffff  }
0x112: {  	v54 =	vor.u32 v20, v33;
	_ =	sdelay $0x3  }
0x113: {  	[tilespmem:v53+s11+$0x0] =	vst.idx.msk $0xffff, v34  }
0x114: {  	v55 =	vor.u32 v21, v32;
	v34 =	vld.idx.msk [tilespmem:v54+s9+$0x0], $0xffff  }
0x115: {  	v56 =	vor.u32 v22, v33;
	_ =	sdelay $0x3  }
0x116: {  	[tilespmem:v55+s11+$0x0] =	vst.idx.msk $0xffff, v34  }
0x117: {  	v57 =	vor.u32 v23, v32;
	v34 =	vld.idx.msk [tilespmem:v56+s9+$0x0], $0xffff  }
0x118: {  	v58 =	vor.u32 v24, v33;
	_ =	sdelay $0x3  }
0x119: {  	[tilespmem:v57+s11+$0x0] =	vst.idx.msk $0xffff, v34  }
0x11a: {  	v59 =	vor.u32 v25, v32;
	v34 =	vld.idx.msk [tilespmem:v58+s9+$0x0], $0xffff  }
0x11b: {  	v60 =	vor.u32 v26, v33;
	_ =	sdelay $0x3  }
0x11c: {  	[tilespmem:v59+s11+$0x0] =	vst.idx.msk $0xffff, v34  }
0x11d: {  	v61 =	vor.u32 v27, v32;
	v34 =	vld.idx.msk [tilespmem:v60+s9+$0x0], $0xffff  }
0x11e: {  	v62 =	vor.u32 v28, v33;
	_ =	sdelay $0x3  }
0x11f: {  	[tilespmem:v61+s11+$0x0] =	vst.idx.msk $0xffff, v34  }
0x120: {  	v63 =	vor.u32 v29, v32;
	v34 =	vld.idx.msk [tilespmem:v62+s9+$0x0], $0xffff  }
0x121: {  	v33 =	vor.u32 v30, v33;
	_ =	sdelay $0x3  }
0x122: {  	[tilespmem:v63+s11+$0x0] =	vst.idx.msk $0xffff, v34  }
0x123: {  	v32 =	vor.u32 v31, v32;
	v33 =	vld.idx.msk [tilespmem:v33+s9+$0x0], $0xffff;
	_ =	sdelay $0x1  }
0x124: {  	s14 =	sshll.u32 s13, $0x12  }
0x125: {  	s13 =	sadd.s32 $0x1, s13;
	s14 =	sor.u32 s6, s14  }
0x126: {  	p0 =	sne.s32 s13, $0x1A;
	s14 =	sshrl.u32 s14, $0x3  }
.Ltmp1:
0x127: {  	s14 =	sadd.s32 s5, s14;
	[tilespmem:v32+s11+$0x0] =	vst.idx.msk $0xffff, v33;
	(pc) =	sbr.rel @p0 .LBB2_2-.Ltmp1, $4  }
0x128: {  	[hbm4b:s14+s9] =	stream.strided.scatter [tilespmem:s11], [sflag:$0x2], $0x2000, s12, s9, $0x38;
	[tilespmem:$0x4200] =	vst v63  }
0x129: {  	_ =	swait.ge [sflag:s8], $0x2000  }
0x12a: {  	[sflag:s8] =	ssyncset.done $0x0  }
0x12b: {  	[sflag:s8] =	ssyncadd.s32 $0xFFFFE000  }
0x12c: {  	s2 =	sadd.s32 $0x1, s2  }
0x12d: {  	p0 =	sne.s32 s2, s7  }
.Ltmp2:
0x12e: {  	_ = 	snop;
	(pc) =	sbr.rel @p0 .LBB2_1-.Ltmp2, $1  }
0x12f: {  	_ =	sdelay $0x3  }
0x130: {  	_ =	sfence.sel $0x180000  }
0x131: {  	[bflag:$0x0] =	sbarrier.arrive $0xFFFF  }
0x132: {  	p0 =	sne.s32 s3, $0x0;
	_ =	strace $0x9000004A  }
0x133: {  	s0 =	sadd.s32 @!p0 $0x100000, s1;
	[bflag:$0x2] =	sbarrier.arrive $0xFFFF  }
0x134: {  	[sflag:s0] =	ssyncadd.tile.s32 @!p0 $0x1;
	_ =	shalt  }
.Lfunc_end2:
_tile_overlayer_lowered:
.L_overlay_start_2:
0x135: {  	(tag) =	ssettag $0x2  }
0x136: {  	s0 =	rddreg [dreg:$0x0];
	s2 =	stileid.u32  }
0x137: {  	s1 =	rddreg [dreg:$0x1];
	p0 =	sne.s32 s2, $0x0  }
0x138: {  	s3 =	rddreg [dreg:$0x2];
	[bflag:$0x3] =	sbarrier.arrive $0xFFFF;
	s2 =	simm.s32 @!p0 $0x1C02  }
0x139: {  	[timem:s3], [sflag:s2] =	dma.local @!p0 [hbm:s0], s1  }
0x13a: {  	s0 =	simm.s32 @!p0 $0x2  }
0x13b: {  	_ =	swait.ge @!p0 [sflag:s0], s1  }
0x13c: {  	s1 =	ssub.s32 @!p0 $0x0, s1;
	[sflag:s0] =	ssyncset.done @!p0 $0x0  }
0x13d: {  	[sflag:s0] =	ssyncadd.s32 @!p0 s1  }
0x13e: {  	[bflag:$0x3] =	sbarrier.arrive $0xFFFF  }
0x13f: {  	_ =	shalt  }

</sc_bundles>
